<compile_context>
chip_gen: v7x
topology: tpu7x:2x2x1
jax: 0.10.2.dev20260603
libtpu: 0.0.44.dev20260713+nightly
codegen_flags: <defaults>
</compile_context>

<pallas_src>
import functools

import jax
import jax.numpy as jnp
from jax import lax
from jax.experimental import pallas as pl
from jax.experimental.pallas import tpu as pltpu
from jax.experimental.pallas import tpu_sc as plsc

_B, _S, _H = 4, 8192, 1024
_N = _B * _S
_NC, _NS = 2, 16
_NW = _NC * _NS
_RPW = _N // _NW
_C = 16
_NCH = _RPW // _C
_NB = 4
_D = 2


def _build():
    mesh = plsc.VectorSubcoreMesh(core_axis_name="c", subcore_axis_name="s")

    @functools.partial(
        pl.kernel,
        mesh=mesh,
        out_type=[
            jax.ShapeDtypeStruct((_N, _H), jnp.float32),
            jax.ShapeDtypeStruct((_N, _H), jnp.float32),
        ],
        scratch_types=[
            pltpu.VMEM((2 * _RPW,), jnp.int32),
            *[pltpu.VMEM((_C, _H), jnp.float32) for _ in range(_NB)],
            *[pltpu.SemaphoreType.DMA for _ in range(2 * _NB)],
        ],
    )
    def emb2(tids, fids, ttab, ftab, tout, fout, idx_v, *scratch):
        bufs = scratch[:_NB]
        gsems = scratch[_NB:2 * _NB]
        osems = scratch[2 * _NB:]
        wid = lax.axis_index("s") * _NC + lax.axis_index("c")
        base = wid * _RPW
        tabs = (ttab, ftab)
        outs = (tout, fout)

        def gather_cp(t, lc, b):
            return pltpu.make_async_copy(
                tabs[t].at[idx_v.at[pl.ds(t * _RPW + lc * _C, _C)]],
                bufs[b], gsems[b])

        def out_cp(t, lc, b):
            return pltpu.make_async_copy(
                bufs[b], outs[t].at[pl.ds(base + lc * _C, _C)], osems[b])

        pltpu.sync_copy(tids.at[pl.ds(base, _RPW)], idx_v.at[pl.ds(0, _RPW)])
        for b in range(_NB):
            gather_cp(0, b, b).start()
        pltpu.sync_copy(fids.at[pl.ds(base, _RPW)], idx_v.at[pl.ds(_RPW, _RPW)])
        for k in range(_NB - _D):
            gather_cp(0, k, k).wait()
            out_cp(0, k, k).start()

        def mk_body(t):
            def body(j, carry):
                for b in range(_NB):
                    lc = _NB * j + b
                    bm = (b - _D) % _NB
                    out_cp(t, lc - _NB, b).wait()
                    gather_cp(t, lc, b).start()
                    gather_cp(t, lc - _D, bm).wait()
                    out_cp(t, lc - _D, bm).start()
                return carry
            return body

        lax.fori_loop(1, _NCH // _NB, mk_body(0), 0)

        for c in range(_NCH, _NCH + _NB):
            b = c % _NB
            bm = (b - _D) % _NB
            cd = c - _D
            out_cp(0, c - _NB, b).wait()
            gather_cp(1, c - _NCH, b).start()
            gather_cp(cd // _NCH, cd % _NCH, bm).wait()
            out_cp(cd // _NCH, cd % _NCH, bm).start()

        lax.fori_loop(1, _NCH // _NB, mk_body(1), 0)

        for lc in range(_NCH - _D, _NCH):
            gather_cp(1, lc, lc % _NB).wait()
            out_cp(1, lc, lc % _NB).start()
        for lc in range(_NCH - _NB, _NCH):
            out_cp(1, lc, lc % _NB).wait()

    return jax.jit(emb2)


_EMB2 = _build()


def kernel(input_ids, feature_ids, text_table, feature_table):
    tid = input_ids.reshape(-1).astype(jnp.int32)
    fid = feature_ids.reshape(-1).astype(jnp.int32)
    tout, fout = _EMB2(tid, fid, text_table, feature_table)
    return (tout.reshape(_B, _S, _H), fout.reshape(_B, _S, _H))

# --- scband reference (transcript-rebuilt; emitter-appended) ---
"""Pipeline reference for scband-embedding-17592186044958 (READ-ONLY COPY).

The authoritative reference and input builder live on the scoring server;
editing this copy changes nothing except your own understanding.
"""

import jax, jax.numpy as jnp
import numpy as np

B = 4
S = 8192
HIDDEN = 1024
TEXT_VOCAB = 100000
FEAT_VOCAB = 100000
PAD = 0


def setup_inputs(seed: int = 0) -> dict:
    key = jax.random.key(seed)
    k1, k2, k3, k4 = jax.random.split(key, 4)
    input_ids = jax.random.randint(k1, (B, S), 0, TEXT_VOCAB, dtype=jnp.int64 if jax.config.jax_enable_x64 else jnp.int32)
    feature_ids = jax.random.randint(k2, (B, S), 0, FEAT_VOCAB, dtype=jnp.int64 if jax.config.jax_enable_x64 else jnp.int32)
    text_table = jax.random.normal(k3, (TEXT_VOCAB, HIDDEN), dtype=jnp.float32) * 0.02
    feature_table = jax.random.normal(k4, (FEAT_VOCAB, HIDDEN), dtype=jnp.float32) * 0.02
    # padding_idx row is initialized to zeros in torch nn.Embedding
    text_table = text_table.at[PAD].set(0.0)
    feature_table = feature_table.at[PAD].set(0.0)
    return {
        "input_ids": input_ids,
        "feature_ids": feature_ids,
        "text_table": text_table,
        "feature_table": feature_table,
    }


def reference(input_ids, feature_ids, text_table, feature_table):
    text_embeddings = jnp.take(text_table, input_ids, axis=0)
    feature_embeddings = jnp.take(feature_table, feature_ids, axis=0)
    return (text_embeddings, feature_embeddings)

if __name__ == "__main__":
    import jax
    _d = setup_inputs()
    print(jax.jit(kernel)(*tuple(_d.values())))

</pallas_src>

<mosaic_0001>
#map = affine_map<(d0, d1) -> (0)>
#map1 = affine_map<(d0, d1) -> (0, 0)>
module attributes {stable_mosaic.version = 14 : i64} {
  func.func @emb2(%arg0: i32, %arg1: i32, %arg2: memref<32768xi32, #tpu.memory_space<hbm>>, %arg3: memref<32768xi32, #tpu.memory_space<hbm>>, %arg4: memref<100000x1024xf32, #tpu.memory_space<hbm>>, %arg5: memref<100000x1024xf32, #tpu.memory_space<hbm>>, %arg6: memref<32768x1024xf32, #tpu.memory_space<hbm>>, %arg7: memref<32768x1024xf32, #tpu.memory_space<hbm>>, %arg8: memref<2048xi32, #tpu.memory_space<vmem>>, %arg9: memref<16x1024xf32, #tpu.memory_space<vmem>>, %arg10: memref<16x1024xf32, #tpu.memory_space<vmem>>, %arg11: memref<16x1024xf32, #tpu.memory_space<vmem>>, %arg12: memref<16x1024xf32, #tpu.memory_space<vmem>>, %arg13: memref<!tpu.dma_semaphore, #tpu.memory_space<semaphore_mem>>, %arg14: memref<!tpu.dma_semaphore, #tpu.memory_space<semaphore_mem>>, %arg15: memref<!tpu.dma_semaphore, #tpu.memory_space<semaphore_mem>>, %arg16: memref<!tpu.dma_semaphore, #tpu.memory_space<semaphore_mem>>, %arg17: memref<!tpu.dma_semaphore, #tpu.memory_space<semaphore_mem>>, %arg18: memref<!tpu.dma_semaphore, #tpu.memory_space<semaphore_mem>>, %arg19: memref<!tpu.dma_semaphore, #tpu.memory_space<semaphore_mem>>, %arg20: memref<!tpu.dma_semaphore, #tpu.memory_space<semaphore_mem>>) attributes {dimension_semantics = [#tpu.dimension_semantics<core_parallel>, #tpu.dimension_semantics<subcore_parallel>], iteration_bounds = array<i64: 2, 16>, scalar_prefetch = 0 : i64, scratch_operands = 13 : i64, tpu.core_type = #tpu.core_type<sc_vector_subcore>, window_params = [{transform_indices = #map}, {transform_indices = #map}, {transform_indices = #map1}, {transform_indices = #map1}, {transform_indices = #map1}, {transform_indices = #map1}]} {
    %mul3A = arith.constant 2 : i32
    %mul3A_0 = arith.muli %arg1, %mul3A : i32
    %add3A = arith.addi %mul3A_0, %arg0 : i32
    %mul3A_1 = arith.constant 1024 : i32
    %mul3A_2 = arith.muli %add3A, %mul3A_1 : i32
    "tpu.region"() ({
      %run_scoped3A = tpu.sem_alloc : memref<!tpu.dma_semaphore, #tpu.memory_space<semaphore_mem>>
      %dma_start3A_188 = arith.constant 0 : i32
      %dma_start3A_189 = tpu.memref_slice %arg8[%dma_start3A_188] : memref<2048xi32, #tpu.memory_space<vmem>> -> memref<1024xi32, #tpu.memory_space<vmem>>
      %dma_start3A_190 = tpu.memref_slice %arg2[%mul3A_2] : memref<32768xi32, #tpu.memory_space<hbm>> -> memref<1024xi32, #tpu.memory_space<hbm>>
      %dma_start3A_191 = arith.constant 0 : i32
      %dma_start3A_192 = tpu.memref_slice %arg8[%dma_start3A_191] : memref<2048xi32, #tpu.memory_space<vmem>> -> memref<1024xi32, #tpu.memory_space<vmem>>
      %dma_start3A_193 = tpu.memref_slice %arg2[%mul3A_2] : memref<32768xi32, #tpu.memory_space<hbm>> -> memref<1024xi32, #tpu.memory_space<hbm>>
      tpu.enqueue_dma source(%dma_start3A_193 : memref<1024xi32, #tpu.memory_space<hbm>>) target(%dma_start3A_192 : memref<1024xi32, #tpu.memory_space<vmem>>) target_semaphore(%run_scoped3A : memref<!tpu.dma_semaphore, #tpu.memory_space<semaphore_mem>>)
      %dma_wait3A_194 = arith.constant 0 : i32
      %dma_wait3A_195 = tpu.memref_slice %arg8[%dma_wait3A_194] : memref<2048xi32, #tpu.memory_space<vmem>> -> memref<1024xi32, #tpu.memory_space<vmem>>
      %dma_wait3A_196 = tpu.memref_slice %arg2[%mul3A_2] : memref<32768xi32, #tpu.memory_space<hbm>> -> memref<1024xi32, #tpu.memory_space<hbm>>
      %dma_wait3A_197 = arith.constant 0 : i32
      %dma_wait3A_198 = tpu.memref_slice %arg8[%dma_wait3A_197] : memref<2048xi32, #tpu.memory_space<vmem>> -> memref<1024xi32, #tpu.memory_space<vmem>>
      %dma_wait3A_199 = tpu.memref_slice %arg2[%mul3A_2] : memref<32768xi32, #tpu.memory_space<hbm>> -> memref<1024xi32, #tpu.memory_space<hbm>>
      tpu.wait_dma2 semaphore(%run_scoped3A : memref<!tpu.dma_semaphore, #tpu.memory_space<semaphore_mem>>) src(%dma_wait3A_199 : memref<1024xi32, #tpu.memory_space<hbm>>) dst(%dma_wait3A_198 : memref<1024xi32, #tpu.memory_space<vmem>>)
      tpu.yield
    }) : () -> ()
    %dma_start3A = arith.constant 0 : i32
    %dma_start3A_3 = tpu.memref_slice %arg8[%dma_start3A] : memref<2048xi32, #tpu.memory_space<vmem>> -> memref<16xi32, #tpu.memory_space<vmem>>
    %dma_start3A_4 = arith.constant 0 : i32
    %dma_start3A_5 = arith.constant 0 : i32
    %dma_start3A_6 = tpu.memref_slice %arg4[%dma_start3A_4, %dma_start3A_5] : memref<100000x1024xf32, #tpu.memory_space<hbm>> -> memref<100000x1024xf32, #tpu.memory_space<hbm>>
    tpu.enqueue_indirect_dma source(%dma_start3A_6 : memref<100000x1024xf32, #tpu.memory_space<hbm>>) target(%arg9 : memref<16x1024xf32, #tpu.memory_space<vmem>>) offsets(%dma_start3A_3 : memref<16xi32, #tpu.memory_space<vmem>>) semaphore(%arg13 : memref<!tpu.dma_semaphore, #tpu.memory_space<semaphore_mem>>)
    %dma_start3A_7 = arith.constant 16 : i32
    %dma_start3A_8 = tpu.memref_slice %arg8[%dma_start3A_7] : memref<2048xi32, #tpu.memory_space<vmem>> -> memref<16xi32, #tpu.memory_space<vmem>>
    %dma_start3A_9 = arith.constant 0 : i32
    %dma_start3A_10 = arith.constant 0 : i32
    %dma_start3A_11 = tpu.memref_slice %arg4[%dma_start3A_9, %dma_start3A_10] : memref<100000x1024xf32, #tpu.memory_space<hbm>> -> memref<100000x1024xf32, #tpu.memory_space<hbm>>
    tpu.enqueue_indirect_dma source(%dma_start3A_11 : memref<100000x1024xf32, #tpu.memory_space<hbm>>) target(%arg10 : memref<16x1024xf32, #tpu.memory_space<vmem>>) offsets(%dma_start3A_8 : memref<16xi32, #tpu.memory_space<vmem>>) semaphore(%arg14 : memref<!tpu.dma_semaphore, #tpu.memory_space<semaphore_mem>>)
    %dma_start3A_12 = arith.constant 32 : i32
    %dma_start3A_13 = tpu.memref_slice %arg8[%dma_start3A_12] : memref<2048xi32, #tpu.memory_space<vmem>> -> memref<16xi32, #tpu.memory_space<vmem>>
    %dma_start3A_14 = arith.constant 0 : i32
    %dma_start3A_15 = arith.constant 0 : i32
    %dma_start3A_16 = tpu.memref_slice %arg4[%dma_start3A_14, %dma_start3A_15] : memref<100000x1024xf32, #tpu.memory_space<hbm>> -> memref<100000x1024xf32, #tpu.memory_space<hbm>>
    tpu.enqueue_indirect_dma source(%dma_start3A_16 : memref<100000x1024xf32, #tpu.memory_space<hbm>>) target(%arg11 : memref<16x1024xf32, #tpu.memory_space<vmem>>) offsets(%dma_start3A_13 : memref<16xi32, #tpu.memory_space<vmem>>) semaphore(%arg15 : memref<!tpu.dma_semaphore, #tpu.memory_space<semaphore_mem>>)
    %dma_start3A_17 = arith.constant 48 : i32
    %dma_start3A_18 = tpu.memref_slice %arg8[%dma_start3A_17] : memref<2048xi32, #tpu.memory_space<vmem>> -> memref<16xi32, #tpu.memory_space<vmem>>
    %dma_start3A_19 = arith.constant 0 : i32
    %dma_start3A_20 = arith.constant 0 : i32
    %dma_start3A_21 = tpu.memref_slice %arg4[%dma_start3A_19, %dma_start3A_20] : memref<100000x1024xf32, #tpu.memory_space<hbm>> -> memref<100000x1024xf32, #tpu.memory_space<hbm>>
    tpu.enqueue_indirect_dma source(%dma_start3A_21 : memref<100000x1024xf32, #tpu.memory_space<hbm>>) target(%arg12 : memref<16x1024xf32, #tpu.memory_space<vmem>>) offsets(%dma_start3A_18 : memref<16xi32, #tpu.memory_space<vmem>>) semaphore(%arg16 : memref<!tpu.dma_semaphore, #tpu.memory_space<semaphore_mem>>)
    "tpu.region"() ({
      %run_scoped3A = tpu.sem_alloc : memref<!tpu.dma_semaphore, #tpu.memory_space<semaphore_mem>>
      %dma_start3A_188 = arith.constant 1024 : i32
      %dma_start3A_189 = tpu.memref_slice %arg8[%dma_start3A_188] : memref<2048xi32, #tpu.memory_space<vmem>> -> memref<1024xi32, #tpu.memory_space<vmem>>
      %dma_start3A_190 = tpu.memref_slice %arg3[%mul3A_2] : memref<32768xi32, #tpu.memory_space<hbm>> -> memref<1024xi32, #tpu.memory_space<hbm>>
      %dma_start3A_191 = arith.constant 1024 : i32
      %dma_start3A_192 = tpu.memref_slice %arg8[%dma_start3A_191] : memref<2048xi32, #tpu.memory_space<vmem>> -> memref<1024xi32, #tpu.memory_space<vmem>>
      %dma_start3A_193 = tpu.memref_slice %arg3[%mul3A_2] : memref<32768xi32, #tpu.memory_space<hbm>> -> memref<1024xi32, #tpu.memory_space<hbm>>
      tpu.enqueue_dma source(%dma_start3A_193 : memref<1024xi32, #tpu.memory_space<hbm>>) target(%dma_start3A_192 : memref<1024xi32, #tpu.memory_space<vmem>>) target_semaphore(%run_scoped3A : memref<!tpu.dma_semaphore, #tpu.memory_space<semaphore_mem>>)
      %dma_wait3A_194 = arith.constant 1024 : i32
      %dma_wait3A_195 = tpu.memref_slice %arg8[%dma_wait3A_194] : memref<2048xi32, #tpu.memory_space<vmem>> -> memref<1024xi32, #tpu.memory_space<vmem>>
      %dma_wait3A_196 = tpu.memref_slice %arg3[%mul3A_2] : memref<32768xi32, #tpu.memory_space<hbm>> -> memref<1024xi32, #tpu.memory_space<hbm>>
      %dma_wait3A_197 = arith.constant 1024 : i32
      %dma_wait3A_198 = tpu.memref_slice %arg8[%dma_wait3A_197] : memref<2048xi32, #tpu.memory_space<vmem>> -> memref<1024xi32, #tpu.memory_space<vmem>>
      %dma_wait3A_199 = tpu.memref_slice %arg3[%mul3A_2] : memref<32768xi32, #tpu.memory_space<hbm>> -> memref<1024xi32, #tpu.memory_space<hbm>>
      tpu.wait_dma2 semaphore(%run_scoped3A : memref<!tpu.dma_semaphore, #tpu.memory_space<semaphore_mem>>) src(%dma_wait3A_199 : memref<1024xi32, #tpu.memory_space<hbm>>) dst(%dma_wait3A_198 : memref<1024xi32, #tpu.memory_space<vmem>>)
      tpu.yield
    }) : () -> ()
    %dma_wait3A = arith.constant 0 : i32
    %dma_wait3A_22 = tpu.memref_slice %arg8[%dma_wait3A] : memref<2048xi32, #tpu.memory_space<vmem>> -> memref<16xi32, #tpu.memory_space<vmem>>
    %dma_wait3A_23 = arith.constant 0 : i32
    %dma_wait3A_24 = arith.constant 0 : i32
    %dma_wait3A_25 = tpu.memref_slice %arg4[%dma_wait3A_23, %dma_wait3A_24] : memref<100000x1024xf32, #tpu.memory_space<hbm>> -> memref<100000x1024xf32, #tpu.memory_space<hbm>>
    tpu.wait_indirect_dma semaphore(%arg13 : memref<!tpu.dma_semaphore, #tpu.memory_space<semaphore_mem>>) src(%dma_wait3A_25 : memref<100000x1024xf32, #tpu.memory_space<hbm>>) dst(%arg9 : memref<16x1024xf32, #tpu.memory_space<vmem>>)
    %add3A_26 = arith.constant 0 : i32
    %add3A_27 = arith.addi %mul3A_2, %add3A_26 : i32
    %dma_start3A_28 = arith.constant 0 : i32
    %dma_start3A_29 = tpu.memref_slice %arg6[%add3A_27, %dma_start3A_28] : memref<32768x1024xf32, #tpu.memory_space<hbm>> -> memref<16x1024xf32, #tpu.memory_space<hbm>>
    %dma_start3A_30 = arith.constant 0 : i32
    %dma_start3A_31 = tpu.memref_slice %arg6[%add3A_27, %dma_start3A_30] : memref<32768x1024xf32, #tpu.memory_space<hbm>> -> memref<16x1024xf32, #tpu.memory_space<hbm>>
    tpu.enqueue_dma source(%arg9 : memref<16x1024xf32, #tpu.memory_space<vmem>>) target(%dma_start3A_31 : memref<16x1024xf32, #tpu.memory_space<hbm>>) target_semaphore(%arg17 : memref<!tpu.dma_semaphore, #tpu.memory_space<semaphore_mem>>)
    %dma_wait3A_32 = arith.constant 16 : i32
    %dma_wait3A_33 = tpu.memref_slice %arg8[%dma_wait3A_32] : memref<2048xi32, #tpu.memory_space<vmem>> -> memref<16xi32, #tpu.memory_space<vmem>>
    %dma_wait3A_34 = arith.constant 0 : i32
    %dma_wait3A_35 = arith.constant 0 : i32
    %dma_wait3A_36 = tpu.memref_slice %arg4[%dma_wait3A_34, %dma_wait3A_35] : memref<100000x1024xf32, #tpu.memory_space<hbm>> -> memref<100000x1024xf32, #tpu.memory_space<hbm>>
    tpu.wait_indirect_dma semaphore(%arg14 : memref<!tpu.dma_semaphore, #tpu.memory_space<semaphore_mem>>) src(%dma_wait3A_36 : memref<100000x1024xf32, #tpu.memory_space<hbm>>) dst(%arg10 : memref<16x1024xf32, #tpu.memory_space<vmem>>)
    %add3A_37 = arith.constant 16 : i32
    %add3A_38 = arith.addi %mul3A_2, %add3A_37 : i32
    %dma_start3A_39 = arith.constant 0 : i32
    %dma_start3A_40 = tpu.memref_slice %arg6[%add3A_38, %dma_start3A_39] : memref<32768x1024xf32, #tpu.memory_space<hbm>> -> memref<16x1024xf32, #tpu.memory_space<hbm>>
    %dma_start3A_41 = arith.constant 0 : i32
    %dma_start3A_42 = tpu.memref_slice %arg6[%add3A_38, %dma_start3A_41] : memref<32768x1024xf32, #tpu.memory_space<hbm>> -> memref<16x1024xf32, #tpu.memory_space<hbm>>
    tpu.enqueue_dma source(%arg10 : memref<16x1024xf32, #tpu.memory_space<vmem>>) target(%dma_start3A_42 : memref<16x1024xf32, #tpu.memory_space<hbm>>) target_semaphore(%arg18 : memref<!tpu.dma_semaphore, #tpu.memory_space<semaphore_mem>>)
    %scan3A = arith.constant 0 : i32
    %scan3A_43 = arith.constant 1 : i32
    %scan3A_44 = arith.constant 15 : i32
    %scan3A_45 = arith.addi %scan3A_43, %scan3A_44 : i32
    %scan3A_46 = arith.constant 1 : i32
    scf.for %scan3A_188 = %scan3A_43 to %scan3A_45 step %scan3A_46  : i32 {
      %mul3A_189 = arith.constant 4 : i32
      %mul3A_190 = arith.muli %mul3A_189, %scan3A_188 : i32
      %add3A_191 = arith.constant 0 : i32
      %add3A_192 = arith.addi %mul3A_190, %add3A_191 : i32
      %sub3A = arith.constant 4 : i32
      %sub3A_193 = arith.subi %add3A_192, %sub3A : i32
      %mul3A_194 = arith.constant 16 : i32
      %mul3A_195 = arith.muli %sub3A_193, %mul3A_194 : i32
      %add3A_196 = arith.addi %mul3A_2, %mul3A_195 : i32
      %dma_wait3A_197 = arith.constant 0 : i32
      %dma_wait3A_198 = tpu.memref_slice %arg6[%add3A_196, %dma_wait3A_197] : memref<32768x1024xf32, #tpu.memory_space<hbm>> -> memref<16x1024xf32, #tpu.memory_space<hbm>>
      %dma_wait3A_199 = arith.constant 0 : i32
      %dma_wait3A_200 = tpu.memref_slice %arg6[%add3A_196, %dma_wait3A_199] : memref<32768x1024xf32, #tpu.memory_space<hbm>> -> memref<16x1024xf32, #tpu.memory_space<hbm>>
      tpu.wait_dma2 semaphore(%arg17 : memref<!tpu.dma_semaphore, #tpu.memory_space<semaphore_mem>>) src(%arg9 : memref<16x1024xf32, #tpu.memory_space<vmem>>) dst(%dma_wait3A_200 : memref<16x1024xf32, #tpu.memory_space<hbm>>)
      %mul3A_201 = arith.constant 16 : i32
      %mul3A_202 = arith.muli %add3A_192, %mul3A_201 : i32
      %add3A_203 = arith.constant 0 : i32
      %add3A_204 = arith.addi %add3A_203, %mul3A_202 : i32
      %dma_start3A_205 = tpu.memref_slice %arg8[%add3A_204] : memref<2048xi32, #tpu.memory_space<vmem>> -> memref<16xi32, #tpu.memory_space<vmem>>
      %dma_start3A_206 = arith.constant 0 : i32
      %dma_start3A_207 = arith.constant 0 : i32
      %dma_start3A_208 = tpu.memref_slice %arg4[%dma_start3A_206, %dma_start3A_207] : memref<100000x1024xf32, #tpu.memory_space<hbm>> -> memref<100000x1024xf32, #tpu.memory_space<hbm>>
      tpu.enqueue_indirect_dma source(%dma_start3A_208 : memref<100000x1024xf32, #tpu.memory_space<hbm>>) target(%arg9 : memref<16x1024xf32, #tpu.memory_space<vmem>>) offsets(%dma_start3A_205 : memref<16xi32, #tpu.memory_space<vmem>>) semaphore(%arg13 : memref<!tpu.dma_semaphore, #tpu.memory_space<semaphore_mem>>)
      %sub3A_209 = arith.constant 2 : i32
      %sub3A_210 = arith.subi %add3A_192, %sub3A_209 : i32
      %mul3A_211 = arith.constant 16 : i32
      %mul3A_212 = arith.muli %sub3A_210, %mul3A_211 : i32
      %add3A_213 = arith.constant 0 : i32
      %add3A_214 = arith.addi %add3A_213, %mul3A_212 : i32
      %dma_wait3A_215 = tpu.memref_slice %arg8[%add3A_214] : memref<2048xi32, #tpu.memory_space<vmem>> -> memref<16xi32, #tpu.memory_space<vmem>>
      %dma_wait3A_216 = arith.constant 0 : i32
      %dma_wait3A_217 = arith.constant 0 : i32
      %dma_wait3A_218 = tpu.memref_slice %arg4[%dma_wait3A_216, %dma_wait3A_217] : memref<100000x1024xf32, #tpu.memory_space<hbm>> -> memref<100000x1024xf32, #tpu.memory_space<hbm>>
      tpu.wait_indirect_dma semaphore(%arg15 : memref<!tpu.dma_semaphore, #tpu.memory_space<semaphore_mem>>) src(%dma_wait3A_218 : memref<100000x1024xf32, #tpu.memory_space<hbm>>) dst(%arg11 : memref<16x1024xf32, #tpu.memory_space<vmem>>)
      %sub3A_219 = arith.constant 2 : i32
      %sub3A_220 = arith.subi %add3A_192, %sub3A_219 : i32
      %mul3A_221 = arith.constant 16 : i32
      %mul3A_222 = arith.muli %sub3A_220, %mul3A_221 : i32
      %add3A_223 = arith.addi %mul3A_2, %mul3A_222 : i32
      %dma_start3A_224 = arith.constant 0 : i32
      %dma_start3A_225 = tpu.memref_slice %arg6[%add3A_223, %dma_start3A_224] : memref<32768x1024xf32, #tpu.memory_space<hbm>> -> memref<16x1024xf32, #tpu.memory_space<hbm>>
      %dma_start3A_226 = arith.constant 0 : i32
      %dma_start3A_227 = tpu.memref_slice %arg6[%add3A_223, %dma_start3A_226] : memref<32768x1024xf32, #tpu.memory_space<hbm>> -> memref<16x1024xf32, #tpu.memory_space<hbm>>
      tpu.enqueue_dma source(%arg11 : memref<16x1024xf32, #tpu.memory_space<vmem>>) target(%dma_start3A_227 : memref<16x1024xf32, #tpu.memory_space<hbm>>) target_semaphore(%arg19 : memref<!tpu.dma_semaphore, #tpu.memory_space<semaphore_mem>>)
      %mul3A_228 = arith.constant 4 : i32
      %mul3A_229 = arith.muli %mul3A_228, %scan3A_188 : i32
      %add3A_230 = arith.constant 1 : i32
      %add3A_231 = arith.addi %mul3A_229, %add3A_230 : i32
      %sub3A_232 = arith.constant 4 : i32
      %sub3A_233 = arith.subi %add3A_231, %sub3A_232 : i32
      %mul3A_234 = arith.constant 16 : i32
      %mul3A_235 = arith.muli %sub3A_233, %mul3A_234 : i32
      %add3A_236 = arith.addi %mul3A_2, %mul3A_235 : i32
      %dma_wait3A_237 = arith.constant 0 : i32
      %dma_wait3A_238 = tpu.memref_slice %arg6[%add3A_236, %dma_wait3A_237] : memref<32768x1024xf32, #tpu.memory_space<hbm>> -> memref<16x1024xf32, #tpu.memory_space<hbm>>
      %dma_wait3A_239 = arith.constant 0 : i32
      %dma_wait3A_240 = tpu.memref_slice %arg6[%add3A_236, %dma_wait3A_239] : memref<32768x1024xf32, #tpu.memory_space<hbm>> -> memref<16x1024xf32, #tpu.memory_space<hbm>>
      tpu.wait_dma2 semaphore(%arg18 : memref<!tpu.dma_semaphore, #tpu.memory_space<semaphore_mem>>) src(%arg10 : memref<16x1024xf32, #tpu.memory_space<vmem>>) dst(%dma_wait3A_240 : memref<16x1024xf32, #tpu.memory_space<hbm>>)
      %mul3A_241 = arith.constant 16 : i32
      %mul3A_242 = arith.muli %add3A_231, %mul3A_241 : i32
      %add3A_243 = arith.constant 0 : i32
      %add3A_244 = arith.addi %add3A_243, %mul3A_242 : i32
      %dma_start3A_245 = tpu.memref_slice %arg8[%add3A_244] : memref<2048xi32, #tpu.memory_space<vmem>> -> memref<16xi32, #tpu.memory_space<vmem>>
      %dma_start3A_246 = arith.constant 0 : i32
      %dma_start3A_247 = arith.constant 0 : i32
      %dma_start3A_248 = tpu.memref_slice %arg4[%dma_start3A_246, %dma_start3A_247] : memref<100000x1024xf32, #tpu.memory_space<hbm>> -> memref<100000x1024xf32, #tpu.memory_space<hbm>>
      tpu.enqueue_indirect_dma source(%dma_start3A_248 : memref<100000x1024xf32, #tpu.memory_space<hbm>>) target(%arg10 : memref<16x1024xf32, #tpu.memory_space<vmem>>) offsets(%dma_start3A_245 : memref<16xi32, #tpu.memory_space<vmem>>) semaphore(%arg14 : memref<!tpu.dma_semaphore, #tpu.memory_space<semaphore_mem>>)
      %sub3A_249 = arith.constant 2 : i32
      %sub3A_250 = arith.subi %add3A_231, %sub3A_249 : i32
      %mul3A_251 = arith.constant 16 : i32
      %mul3A_252 = arith.muli %sub3A_250, %mul3A_251 : i32
      %add3A_253 = arith.constant 0 : i32
      %add3A_254 = arith.addi %add3A_253, %mul3A_252 : i32
      %dma_wait3A_255 = tpu.memref_slice %arg8[%add3A_254] : memref<2048xi32, #tpu.memory_space<vmem>> -> memref<16xi32, #tpu.memory_space<vmem>>
      %dma_wait3A_256 = arith.constant 0 : i32
      %dma_wait3A_257 = arith.constant 0 : i32
      %dma_wait3A_258 = tpu.memref_slice %arg4[%dma_wait3A_256, %dma_wait3A_257] : memref<100000x1024xf32, #tpu.memory_space<hbm>> -> memref<100000x1024xf32, #tpu.memory_space<hbm>>
      tpu.wait_indirect_dma semaphore(%arg16 : memref<!tpu.dma_semaphore, #tpu.memory_space<semaphore_mem>>) src(%dma_wait3A_258 : memref<100000x1024xf32, #tpu.memory_space<hbm>>) dst(%arg12 : memref<16x1024xf32, #tpu.memory_space<vmem>>)
      %sub3A_259 = arith.constant 2 : i32
      %sub3A_260 = arith.subi %add3A_231, %sub3A_259 : i32
      %mul3A_261 = arith.constant 16 : i32
      %mul3A_262 = arith.muli %sub3A_260, %mul3A_261 : i32
      %add3A_263 = arith.addi %mul3A_2, %mul3A_262 : i32
      %dma_start3A_264 = arith.constant 0 : i32
      %dma_start3A_265 = tpu.memref_slice %arg6[%add3A_263, %dma_start3A_264] : memref<32768x1024xf32, #tpu.memory_space<hbm>> -> memref<16x1024xf32, #tpu.memory_space<hbm>>
      %dma_start3A_266 = arith.constant 0 : i32
      %dma_start3A_267 = tpu.memref_slice %arg6[%add3A_263, %dma_start3A_266] : memref<32768x1024xf32, #tpu.memory_space<hbm>> -> memref<16x1024xf32, #tpu.memory_space<hbm>>
      tpu.enqueue_dma source(%arg12 : memref<16x1024xf32, #tpu.memory_space<vmem>>) target(%dma_start3A_267 : memref<16x1024xf32, #tpu.memory_space<hbm>>) target_semaphore(%arg20 : memref<!tpu.dma_semaphore, #tpu.memory_space<semaphore_mem>>)
      %mul3A_268 = arith.constant 4 : i32
      %mul3A_269 = arith.muli %mul3A_268, %scan3A_188 : i32
      %add3A_270 = arith.constant 2 : i32
      %add3A_271 = arith.addi %mul3A_269, %add3A_270 : i32
      %sub3A_272 = arith.constant 4 : i32
      %sub3A_273 = arith.subi %add3A_271, %sub3A_272 : i32
      %mul3A_274 = arith.constant 16 : i32
      %mul3A_275 = arith.muli %sub3A_273, %mul3A_274 : i32
      %add3A_276 = arith.addi %mul3A_2, %mul3A_275 : i32
      %dma_wait3A_277 = arith.constant 0 : i32
      %dma_wait3A_278 = tpu.memref_slice %arg6[%add3A_276, %dma_wait3A_277] : memref<32768x1024xf32, #tpu.memory_space<hbm>> -> memref<16x1024xf32, #tpu.memory_space<hbm>>
      %dma_wait3A_279 = arith.constant 0 : i32
      %dma_wait3A_280 = tpu.memref_slice %arg6[%add3A_276, %dma_wait3A_279] : memref<32768x1024xf32, #tpu.memory_space<hbm>> -> memref<16x1024xf32, #tpu.memory_space<hbm>>
      tpu.wait_dma2 semaphore(%arg19 : memref<!tpu.dma_semaphore, #tpu.memory_space<semaphore_mem>>) src(%arg11 : memref<16x1024xf32, #tpu.memory_space<vmem>>) dst(%dma_wait3A_280 : memref<16x1024xf32, #tpu.memory_space<hbm>>)
      %mul3A_281 = arith.constant 16 : i32
      %mul3A_282 = arith.muli %add3A_271, %mul3A_281 : i32
      %add3A_283 = arith.constant 0 : i32
      %add3A_284 = arith.addi %add3A_283, %mul3A_282 : i32
      %dma_start3A_285 = tpu.memref_slice %arg8[%add3A_284] : memref<2048xi32, #tpu.memory_space<vmem>> -> memref<16xi32, #tpu.memory_space<vmem>>
      %dma_start3A_286 = arith.constant 0 : i32
      %dma_start3A_287 = arith.constant 0 : i32
      %dma_start3A_288 = tpu.memref_slice %arg4[%dma_start3A_286, %dma_start3A_287] : memref<100000x1024xf32, #tpu.memory_space<hbm>> -> memref<100000x1024xf32, #tpu.memory_space<hbm>>
      tpu.enqueue_indirect_dma source(%dma_start3A_288 : memref<100000x1024xf32, #tpu.memory_space<hbm>>) target(%arg11 : memref<16x1024xf32, #tpu.memory_space<vmem>>) offsets(%dma_start3A_285 : memref<16xi32, #tpu.memory_space<vmem>>) semaphore(%arg15 : memref<!tpu.dma_semaphore, #tpu.memory_space<semaphore_mem>>)
      %sub3A_289 = arith.constant 2 : i32
      %sub3A_290 = arith.subi %add3A_271, %sub3A_289 : i32
      %mul3A_291 = arith.constant 16 : i32
      %mul3A_292 = arith.muli %sub3A_290, %mul3A_291 : i32
      %add3A_293 = arith.constant 0 : i32
      %add3A_294 = arith.addi %add3A_293, %mul3A_292 : i32
      %dma_wait3A_295 = tpu.memref_slice %arg8[%add3A_294] : memref<2048xi32, #tpu.memory_space<vmem>> -> memref<16xi32, #tpu.memory_space<vmem>>
      %dma_wait3A_296 = arith.constant 0 : i32
      %dma_wait3A_297 = arith.constant 0 : i32
      %dma_wait3A_298 = tpu.memref_slice %arg4[%dma_wait3A_296, %dma_wait3A_297] : memref<100000x1024xf32, #tpu.memory_space<hbm>> -> memref<100000x1024xf32, #tpu.memory_space<hbm>>
      tpu.wait_indirect_dma semaphore(%arg13 : memref<!tpu.dma_semaphore, #tpu.memory_space<semaphore_mem>>) src(%dma_wait3A_298 : memref<100000x1024xf32, #tpu.memory_space<hbm>>) dst(%arg9 : memref<16x1024xf32, #tpu.memory_space<vmem>>)
      %sub3A_299 = arith.constant 2 : i32
      %sub3A_300 = arith.subi %add3A_271, %sub3A_299 : i32
      %mul3A_301 = arith.constant 16 : i32
      %mul3A_302 = arith.muli %sub3A_300, %mul3A_301 : i32
      %add3A_303 = arith.addi %mul3A_2, %mul3A_302 : i32
      %dma_start3A_304 = arith.constant 0 : i32
      %dma_start3A_305 = tpu.memref_slice %arg6[%add3A_303, %dma_start3A_304] : memref<32768x1024xf32, #tpu.memory_space<hbm>> -> memref<16x1024xf32, #tpu.memory_space<hbm>>
      %dma_start3A_306 = arith.constant 0 : i32
      %dma_start3A_307 = tpu.memref_slice %arg6[%add3A_303, %dma_start3A_306] : memref<32768x1024xf32, #tpu.memory_space<hbm>> -> memref<16x1024xf32, #tpu.memory_space<hbm>>
      tpu.enqueue_dma source(%arg9 : memref<16x1024xf32, #tpu.memory_space<vmem>>) target(%dma_start3A_307 : memref<16x1024xf32, #tpu.memory_space<hbm>>) target_semaphore(%arg17 : memref<!tpu.dma_semaphore, #tpu.memory_space<semaphore_mem>>)
      %mul3A_308 = arith.constant 4 : i32
      %mul3A_309 = arith.muli %mul3A_308, %scan3A_188 : i32
      %add3A_310 = arith.constant 3 : i32
      %add3A_311 = arith.addi %mul3A_309, %add3A_310 : i32
      %sub3A_312 = arith.constant 4 : i32
      %sub3A_313 = arith.subi %add3A_311, %sub3A_312 : i32
      %mul3A_314 = arith.constant 16 : i32
      %mul3A_315 = arith.muli %sub3A_313, %mul3A_314 : i32
      %add3A_316 = arith.addi %mul3A_2, %mul3A_315 : i32
      %dma_wait3A_317 = arith.constant 0 : i32
      %dma_wait3A_318 = tpu.memref_slice %arg6[%add3A_316, %dma_wait3A_317] : memref<32768x1024xf32, #tpu.memory_space<hbm>> -> memref<16x1024xf32, #tpu.memory_space<hbm>>
      %dma_wait3A_319 = arith.constant 0 : i32
      %dma_wait3A_320 = tpu.memref_slice %arg6[%add3A_316, %dma_wait3A_319] : memref<32768x1024xf32, #tpu.memory_space<hbm>> -> memref<16x1024xf32, #tpu.memory_space<hbm>>
      tpu.wait_dma2 semaphore(%arg20 : memref<!tpu.dma_semaphore, #tpu.memory_space<semaphore_mem>>) src(%arg12 : memref<16x1024xf32, #tpu.memory_space<vmem>>) dst(%dma_wait3A_320 : memref<16x1024xf32, #tpu.memory_space<hbm>>)
      %mul3A_321 = arith.constant 16 : i32
      %mul3A_322 = arith.muli %add3A_311, %mul3A_321 : i32
      %add3A_323 = arith.constant 0 : i32
      %add3A_324 = arith.addi %add3A_323, %mul3A_322 : i32
      %dma_start3A_325 = tpu.memref_slice %arg8[%add3A_324] : memref<2048xi32, #tpu.memory_space<vmem>> -> memref<16xi32, #tpu.memory_space<vmem>>
      %dma_start3A_326 = arith.constant 0 : i32
      %dma_start3A_327 = arith.constant 0 : i32
      %dma_start3A_328 = tpu.memref_slice %arg4[%dma_start3A_326, %dma_start3A_327] : memref<100000x1024xf32, #tpu.memory_space<hbm>> -> memref<100000x1024xf32, #tpu.memory_space<hbm>>
      tpu.enqueue_indirect_dma source(%dma_start3A_328 : memref<100000x1024xf32, #tpu.memory_space<hbm>>) target(%arg12 : memref<16x1024xf32, #tpu.memory_space<vmem>>) offsets(%dma_start3A_325 : memref<16xi32, #tpu.memory_space<vmem>>) semaphore(%arg16 : memref<!tpu.dma_semaphore, #tpu.memory_space<semaphore_mem>>)
      %sub3A_329 = arith.constant 2 : i32
      %sub3A_330 = arith.subi %add3A_311, %sub3A_329 : i32
      %mul3A_331 = arith.constant 16 : i32
      %mul3A_332 = arith.muli %sub3A_330, %mul3A_331 : i32
      %add3A_333 = arith.constant 0 : i32
      %add3A_334 = arith.addi %add3A_333, %mul3A_332 : i32
      %dma_wait3A_335 = tpu.memref_slice %arg8[%add3A_334] : memref<2048xi32, #tpu.memory_space<vmem>> -> memref<16xi32, #tpu.memory_space<vmem>>
      %dma_wait3A_336 = arith.constant 0 : i32
      %dma_wait3A_337 = arith.constant 0 : i32
      %dma_wait3A_338 = tpu.memref_slice %arg4[%dma_wait3A_336, %dma_wait3A_337] : memref<100000x1024xf32, #tpu.memory_space<hbm>> -> memref<100000x1024xf32, #tpu.memory_space<hbm>>
      tpu.wait_indirect_dma semaphore(%arg14 : memref<!tpu.dma_semaphore, #tpu.memory_space<semaphore_mem>>) src(%dma_wait3A_338 : memref<100000x1024xf32, #tpu.memory_space<hbm>>) dst(%arg10 : memref<16x1024xf32, #tpu.memory_space<vmem>>)
      %sub3A_339 = arith.constant 2 : i32
      %sub3A_340 = arith.subi %add3A_311, %sub3A_339 : i32
      %mul3A_341 = arith.constant 16 : i32
      %mul3A_342 = arith.muli %sub3A_340, %mul3A_341 : i32
      %add3A_343 = arith.addi %mul3A_2, %mul3A_342 : i32
      %dma_start3A_344 = arith.constant 0 : i32
      %dma_start3A_345 = tpu.memref_slice %arg6[%add3A_343, %dma_start3A_344] : memref<32768x1024xf32, #tpu.memory_space<hbm>> -> memref<16x1024xf32, #tpu.memory_space<hbm>>
      %dma_start3A_346 = arith.constant 0 : i32
      %dma_start3A_347 = tpu.memref_slice %arg6[%add3A_343, %dma_start3A_346] : memref<32768x1024xf32, #tpu.memory_space<hbm>> -> memref<16x1024xf32, #tpu.memory_space<hbm>>
      tpu.enqueue_dma source(%arg10 : memref<16x1024xf32, #tpu.memory_space<vmem>>) target(%dma_start3A_347 : memref<16x1024xf32, #tpu.memory_space<hbm>>) target_semaphore(%arg18 : memref<!tpu.dma_semaphore, #tpu.memory_space<semaphore_mem>>)
    }
    %scan3A_47 = arith.constant 15 : i32
    %add3A_48 = arith.constant 960 : i32
    %add3A_49 = arith.addi %mul3A_2, %add3A_48 : i32
    %dma_wait3A_50 = arith.constant 0 : i32
    %dma_wait3A_51 = tpu.memref_slice %arg6[%add3A_49, %dma_wait3A_50] : memref<32768x1024xf32, #tpu.memory_space<hbm>> -> memref<16x1024xf32, #tpu.memory_space<hbm>>
    %dma_wait3A_52 = arith.constant 0 : i32
    %dma_wait3A_53 = tpu.memref_slice %arg6[%add3A_49, %dma_wait3A_52] : memref<32768x1024xf32, #tpu.memory_space<hbm>> -> memref<16x1024xf32, #tpu.memory_space<hbm>>
    tpu.wait_dma2 semaphore(%arg17 : memref<!tpu.dma_semaphore, #tpu.memory_space<semaphore_mem>>) src(%arg9 : memref<16x1024xf32, #tpu.memory_space<vmem>>) dst(%dma_wait3A_53 : memref<16x1024xf32, #tpu.memory_space<hbm>>)
    %dma_start3A_54 = arith.constant 1024 : i32
    %dma_start3A_55 = tpu.memref_slice %arg8[%dma_start3A_54] : memref<2048xi32, #tpu.memory_space<vmem>> -> memref<16xi32, #tpu.memory_space<vmem>>
    %dma_start3A_56 = arith.constant 0 : i32
    %dma_start3A_57 = arith.constant 0 : i32
    %dma_start3A_58 = tpu.memref_slice %arg5[%dma_start3A_56, %dma_start3A_57] : memref<100000x1024xf32, #tpu.memory_space<hbm>> -> memref<100000x1024xf32, #tpu.memory_space<hbm>>
    tpu.enqueue_indirect_dma source(%dma_start3A_58 : memref<100000x1024xf32, #tpu.memory_space<hbm>>) target(%arg9 : memref<16x1024xf32, #tpu.memory_space<vmem>>) offsets(%dma_start3A_55 : memref<16xi32, #tpu.memory_space<vmem>>) semaphore(%arg13 : memref<!tpu.dma_semaphore, #tpu.memory_space<semaphore_mem>>)
    %dma_wait3A_59 = arith.constant 992 : i32
    %dma_wait3A_60 = tpu.memref_slice %arg8[%dma_wait3A_59] : memref<2048xi32, #tpu.memory_space<vmem>> -> memref<16xi32, #tpu.memory_space<vmem>>
    %dma_wait3A_61 = arith.constant 0 : i32
    %dma_wait3A_62 = arith.constant 0 : i32
    %dma_wait3A_63 = tpu.memref_slice %arg4[%dma_wait3A_61, %dma_wait3A_62] : memref<100000x1024xf32, #tpu.memory_space<hbm>> -> memref<100000x1024xf32, #tpu.memory_space<hbm>>
    tpu.wait_indirect_dma semaphore(%arg15 : memref<!tpu.dma_semaphore, #tpu.memory_space<semaphore_mem>>) src(%dma_wait3A_63 : memref<100000x1024xf32, #tpu.memory_space<hbm>>) dst(%arg11 : memref<16x1024xf32, #tpu.memory_space<vmem>>)
    %add3A_64 = arith.constant 992 : i32
    %add3A_65 = arith.addi %mul3A_2, %add3A_64 : i32
    %dma_start3A_66 = arith.constant 0 : i32
    %dma_start3A_67 = tpu.memref_slice %arg6[%add3A_65, %dma_start3A_66] : memref<32768x1024xf32, #tpu.memory_space<hbm>> -> memref<16x1024xf32, #tpu.memory_space<hbm>>
    %dma_start3A_68 = arith.constant 0 : i32
    %dma_start3A_69 = tpu.memref_slice %arg6[%add3A_65, %dma_start3A_68] : memref<32768x1024xf32, #tpu.memory_space<hbm>> -> memref<16x1024xf32, #tpu.memory_space<hbm>>
    tpu.enqueue_dma source(%arg11 : memref<16x1024xf32, #tpu.memory_space<vmem>>) target(%dma_start3A_69 : memref<16x1024xf32, #tpu.memory_space<hbm>>) target_semaphore(%arg19 : memref<!tpu.dma_semaphore, #tpu.memory_space<semaphore_mem>>)
    %add3A_70 = arith.constant 976 : i32
    %add3A_71 = arith.addi %mul3A_2, %add3A_70 : i32
    %dma_wait3A_72 = arith.constant 0 : i32
    %dma_wait3A_73 = tpu.memref_slice %arg6[%add3A_71, %dma_wait3A_72] : memref<32768x1024xf32, #tpu.memory_space<hbm>> -> memref<16x1024xf32, #tpu.memory_space<hbm>>
    %dma_wait3A_74 = arith.constant 0 : i32
    %dma_wait3A_75 = tpu.memref_slice %arg6[%add3A_71, %dma_wait3A_74] : memref<32768x1024xf32, #tpu.memory_space<hbm>> -> memref<16x1024xf32, #tpu.memory_space<hbm>>
    tpu.wait_dma2 semaphore(%arg18 : memref<!tpu.dma_semaphore, #tpu.memory_space<semaphore_mem>>) src(%arg10 : memref<16x1024xf32, #tpu.memory_space<vmem>>) dst(%dma_wait3A_75 : memref<16x1024xf32, #tpu.memory_space<hbm>>)
    %dma_start3A_76 = arith.constant 1040 : i32
    %dma_start3A_77 = tpu.memref_slice %arg8[%dma_start3A_76] : memref<2048xi32, #tpu.memory_space<vmem>> -> memref<16xi32, #tpu.memory_space<vmem>>
    %dma_start3A_78 = arith.constant 0 : i32
    %dma_start3A_79 = arith.constant 0 : i32
    %dma_start3A_80 = tpu.memref_slice %arg5[%dma_start3A_78, %dma_start3A_79] : memref<100000x1024xf32, #tpu.memory_space<hbm>> -> memref<100000x1024xf32, #tpu.memory_space<hbm>>
    tpu.enqueue_indirect_dma source(%dma_start3A_80 : memref<100000x1024xf32, #tpu.memory_space<hbm>>) target(%arg10 : memref<16x1024xf32, #tpu.memory_space<vmem>>) offsets(%dma_start3A_77 : memref<16xi32, #tpu.memory_space<vmem>>) semaphore(%arg14 : memref<!tpu.dma_semaphore, #tpu.memory_space<semaphore_mem>>)
    %dma_wait3A_81 = arith.constant 1008 : i32
    %dma_wait3A_82 = tpu.memref_slice %arg8[%dma_wait3A_81] : memref<2048xi32, #tpu.memory_space<vmem>> -> memref<16xi32, #tpu.memory_space<vmem>>
    %dma_wait3A_83 = arith.constant 0 : i32
    %dma_wait3A_84 = arith.constant 0 : i32
    %dma_wait3A_85 = tpu.memref_slice %arg4[%dma_wait3A_83, %dma_wait3A_84] : memref<100000x1024xf32, #tpu.memory_space<hbm>> -> memref<100000x1024xf32, #tpu.memory_space<hbm>>
    tpu.wait_indirect_dma semaphore(%arg16 : memref<!tpu.dma_semaphore, #tpu.memory_space<semaphore_mem>>) src(%dma_wait3A_85 : memref<100000x1024xf32, #tpu.memory_space<hbm>>) dst(%arg12 : memref<16x1024xf32, #tpu.memory_space<vmem>>)
    %add3A_86 = arith.constant 1008 : i32
    %add3A_87 = arith.addi %mul3A_2, %add3A_86 : i32
    %dma_start3A_88 = arith.constant 0 : i32
    %dma_start3A_89 = tpu.memref_slice %arg6[%add3A_87, %dma_start3A_88] : memref<32768x1024xf32, #tpu.memory_space<hbm>> -> memref<16x1024xf32, #tpu.memory_space<hbm>>
    %dma_start3A_90 = arith.constant 0 : i32
    %dma_start3A_91 = tpu.memref_slice %arg6[%add3A_87, %dma_start3A_90] : memref<32768x1024xf32, #tpu.memory_space<hbm>> -> memref<16x1024xf32, #tpu.memory_space<hbm>>
    tpu.enqueue_dma source(%arg12 : memref<16x1024xf32, #tpu.memory_space<vmem>>) target(%dma_start3A_91 : memref<16x1024xf32, #tpu.memory_space<hbm>>) target_semaphore(%arg20 : memref<!tpu.dma_semaphore, #tpu.memory_space<semaphore_mem>>)
    %add3A_92 = arith.constant 992 : i32
    %add3A_93 = arith.addi %mul3A_2, %add3A_92 : i32
    %dma_wait3A_94 = arith.constant 0 : i32
    %dma_wait3A_95 = tpu.memref_slice %arg6[%add3A_93, %dma_wait3A_94] : memref<32768x1024xf32, #tpu.memory_space<hbm>> -> memref<16x1024xf32, #tpu.memory_space<hbm>>
    %dma_wait3A_96 = arith.constant 0 : i32
    %dma_wait3A_97 = tpu.memref_slice %arg6[%add3A_93, %dma_wait3A_96] : memref<32768x1024xf32, #tpu.memory_space<hbm>> -> memref<16x1024xf32, #tpu.memory_space<hbm>>
    tpu.wait_dma2 semaphore(%arg19 : memref<!tpu.dma_semaphore, #tpu.memory_space<semaphore_mem>>) src(%arg11 : memref<16x1024xf32, #tpu.memory_space<vmem>>) dst(%dma_wait3A_97 : memref<16x1024xf32, #tpu.memory_space<hbm>>)
    %dma_start3A_98 = arith.constant 1056 : i32
    %dma_start3A_99 = tpu.memref_slice %arg8[%dma_start3A_98] : memref<2048xi32, #tpu.memory_space<vmem>> -> memref<16xi32, #tpu.memory_space<vmem>>
    %dma_start3A_100 = arith.constant 0 : i32
    %dma_start3A_101 = arith.constant 0 : i32
    %dma_start3A_102 = tpu.memref_slice %arg5[%dma_start3A_100, %dma_start3A_101] : memref<100000x1024xf32, #tpu.memory_space<hbm>> -> memref<100000x1024xf32, #tpu.memory_space<hbm>>
    tpu.enqueue_indirect_dma source(%dma_start3A_102 : memref<100000x1024xf32, #tpu.memory_space<hbm>>) target(%arg11 : memref<16x1024xf32, #tpu.memory_space<vmem>>) offsets(%dma_start3A_99 : memref<16xi32, #tpu.memory_space<vmem>>) semaphore(%arg15 : memref<!tpu.dma_semaphore, #tpu.memory_space<semaphore_mem>>)
    %dma_wait3A_103 = arith.constant 1024 : i32
    %dma_wait3A_104 = tpu.memref_slice %arg8[%dma_wait3A_103] : memref<2048xi32, #tpu.memory_space<vmem>> -> memref<16xi32, #tpu.memory_space<vmem>>
    %dma_wait3A_105 = arith.constant 0 : i32
    %dma_wait3A_106 = arith.constant 0 : i32
    %dma_wait3A_107 = tpu.memref_slice %arg5[%dma_wait3A_105, %dma_wait3A_106] : memref<100000x1024xf32, #tpu.memory_space<hbm>> -> memref<100000x1024xf32, #tpu.memory_space<hbm>>
    tpu.wait_indirect_dma semaphore(%arg13 : memref<!tpu.dma_semaphore, #tpu.memory_space<semaphore_mem>>) src(%dma_wait3A_107 : memref<100000x1024xf32, #tpu.memory_space<hbm>>) dst(%arg9 : memref<16x1024xf32, #tpu.memory_space<vmem>>)
    %add3A_108 = arith.constant 0 : i32
    %add3A_109 = arith.addi %mul3A_2, %add3A_108 : i32
    %dma_start3A_110 = arith.constant 0 : i32
    %dma_start3A_111 = tpu.memref_slice %arg7[%add3A_109, %dma_start3A_110] : memref<32768x1024xf32, #tpu.memory_space<hbm>> -> memref<16x1024xf32, #tpu.memory_space<hbm>>
    %dma_start3A_112 = arith.constant 0 : i32
    %dma_start3A_113 = tpu.memref_slice %arg7[%add3A_109, %dma_start3A_112] : memref<32768x1024xf32, #tpu.memory_space<hbm>> -> memref<16x1024xf32, #tpu.memory_space<hbm>>
    tpu.enqueue_dma source(%arg9 : memref<16x1024xf32, #tpu.memory_space<vmem>>) target(%dma_start3A_113 : memref<16x1024xf32, #tpu.memory_space<hbm>>) target_semaphore(%arg17 : memref<!tpu.dma_semaphore, #tpu.memory_space<semaphore_mem>>)
    %add3A_114 = arith.constant 1008 : i32
    %add3A_115 = arith.addi %mul3A_2, %add3A_114 : i32
    %dma_wait3A_116 = arith.constant 0 : i32
    %dma_wait3A_117 = tpu.memref_slice %arg6[%add3A_115, %dma_wait3A_116] : memref<32768x1024xf32, #tpu.memory_space<hbm>> -> memref<16x1024xf32, #tpu.memory_space<hbm>>
    %dma_wait3A_118 = arith.constant 0 : i32
    %dma_wait3A_119 = tpu.memref_slice %arg6[%add3A_115, %dma_wait3A_118] : memref<32768x1024xf32, #tpu.memory_space<hbm>> -> memref<16x1024xf32, #tpu.memory_space<hbm>>
    tpu.wait_dma2 semaphore(%arg20 : memref<!tpu.dma_semaphore, #tpu.memory_space<semaphore_mem>>) src(%arg12 : memref<16x1024xf32, #tpu.memory_space<vmem>>) dst(%dma_wait3A_119 : memref<16x1024xf32, #tpu.memory_space<hbm>>)
    %dma_start3A_120 = arith.constant 1072 : i32
    %dma_start3A_121 = tpu.memref_slice %arg8[%dma_start3A_120] : memref<2048xi32, #tpu.memory_space<vmem>> -> memref<16xi32, #tpu.memory_space<vmem>>
    %dma_start3A_122 = arith.constant 0 : i32
    %dma_start3A_123 = arith.constant 0 : i32
    %dma_start3A_124 = tpu.memref_slice %arg5[%dma_start3A_122, %dma_start3A_123] : memref<100000x1024xf32, #tpu.memory_space<hbm>> -> memref<100000x1024xf32, #tpu.memory_space<hbm>>
    tpu.enqueue_indirect_dma source(%dma_start3A_124 : memref<100000x1024xf32, #tpu.memory_space<hbm>>) target(%arg12 : memref<16x1024xf32, #tpu.memory_space<vmem>>) offsets(%dma_start3A_121 : memref<16xi32, #tpu.memory_space<vmem>>) semaphore(%arg16 : memref<!tpu.dma_semaphore, #tpu.memory_space<semaphore_mem>>)
    %dma_wait3A_125 = arith.constant 1040 : i32
    %dma_wait3A_126 = tpu.memref_slice %arg8[%dma_wait3A_125] : memref<2048xi32, #tpu.memory_space<vmem>> -> memref<16xi32, #tpu.memory_space<vmem>>
    %dma_wait3A_127 = arith.constant 0 : i32
    %dma_wait3A_128 = arith.constant 0 : i32
    %dma_wait3A_129 = tpu.memref_slice %arg5[%dma_wait3A_127, %dma_wait3A_128] : memref<100000x1024xf32, #tpu.memory_space<hbm>> -> memref<100000x1024xf32, #tpu.memory_space<hbm>>
    tpu.wait_indirect_dma semaphore(%arg14 : memref<!tpu.dma_semaphore, #tpu.memory_space<semaphore_mem>>) src(%dma_wait3A_129 : memref<100000x1024xf32, #tpu.memory_space<hbm>>) dst(%arg10 : memref<16x1024xf32, #tpu.memory_space<vmem>>)
    %add3A_130 = arith.constant 16 : i32
    %add3A_131 = arith.addi %mul3A_2, %add3A_130 : i32
    %dma_start3A_132 = arith.constant 0 : i32
    %dma_start3A_133 = tpu.memref_slice %arg7[%add3A_131, %dma_start3A_132] : memref<32768x1024xf32, #tpu.memory_space<hbm>> -> memref<16x1024xf32, #tpu.memory_space<hbm>>
    %dma_start3A_134 = arith.constant 0 : i32
    %dma_start3A_135 = tpu.memref_slice %arg7[%add3A_131, %dma_start3A_134] : memref<32768x1024xf32, #tpu.memory_space<hbm>> -> memref<16x1024xf32, #tpu.memory_space<hbm>>
    tpu.enqueue_dma source(%arg10 : memref<16x1024xf32, #tpu.memory_space<vmem>>) target(%dma_start3A_135 : memref<16x1024xf32, #tpu.memory_space<hbm>>) target_semaphore(%arg18 : memref<!tpu.dma_semaphore, #tpu.memory_space<semaphore_mem>>)
    %scan3A_136 = arith.constant 0 : i32
    %scan3A_137 = arith.constant 1 : i32
    %scan3A_138 = arith.constant 15 : i32
    %scan3A_139 = arith.addi %scan3A_137, %scan3A_138 : i32
    %scan3A_140 = arith.constant 1 : i32
    scf.for %scan3A_188 = %scan3A_137 to %scan3A_139 step %scan3A_140  : i32 {
      %mul3A_189 = arith.constant 4 : i32
      %mul3A_190 = arith.muli %mul3A_189, %scan3A_188 : i32
      %add3A_191 = arith.constant 0 : i32
      %add3A_192 = arith.addi %mul3A_190, %add3A_191 : i32
      %sub3A = arith.constant 4 : i32
      %sub3A_193 = arith.subi %add3A_192, %sub3A : i32
      %mul3A_194 = arith.constant 16 : i32
      %mul3A_195 = arith.muli %sub3A_193, %mul3A_194 : i32
      %add3A_196 = arith.addi %mul3A_2, %mul3A_195 : i32
      %dma_wait3A_197 = arith.constant 0 : i32
      %dma_wait3A_198 = tpu.memref_slice %arg7[%add3A_196, %dma_wait3A_197] : memref<32768x1024xf32, #tpu.memory_space<hbm>> -> memref<16x1024xf32, #tpu.memory_space<hbm>>
      %dma_wait3A_199 = arith.constant 0 : i32
      %dma_wait3A_200 = tpu.memref_slice %arg7[%add3A_196, %dma_wait3A_199] : memref<32768x1024xf32, #tpu.memory_space<hbm>> -> memref<16x1024xf32, #tpu.memory_space<hbm>>
      tpu.wait_dma2 semaphore(%arg17 : memref<!tpu.dma_semaphore, #tpu.memory_space<semaphore_mem>>) src(%arg9 : memref<16x1024xf32, #tpu.memory_space<vmem>>) dst(%dma_wait3A_200 : memref<16x1024xf32, #tpu.memory_space<hbm>>)
      %mul3A_201 = arith.constant 16 : i32
      %mul3A_202 = arith.muli %add3A_192, %mul3A_201 : i32
      %add3A_203 = arith.constant 1024 : i32
      %add3A_204 = arith.addi %add3A_203, %mul3A_202 : i32
      %dma_start3A_205 = tpu.memref_slice %arg8[%add3A_204] : memref<2048xi32, #tpu.memory_space<vmem>> -> memref<16xi32, #tpu.memory_space<vmem>>
      %dma_start3A_206 = arith.constant 0 : i32
      %dma_start3A_207 = arith.constant 0 : i32
      %dma_start3A_208 = tpu.memref_slice %arg5[%dma_start3A_206, %dma_start3A_207] : memref<100000x1024xf32, #tpu.memory_space<hbm>> -> memref<100000x1024xf32, #tpu.memory_space<hbm>>
      tpu.enqueue_indirect_dma source(%dma_start3A_208 : memref<100000x1024xf32, #tpu.memory_space<hbm>>) target(%arg9 : memref<16x1024xf32, #tpu.memory_space<vmem>>) offsets(%dma_start3A_205 : memref<16xi32, #tpu.memory_space<vmem>>) semaphore(%arg13 : memref<!tpu.dma_semaphore, #tpu.memory_space<semaphore_mem>>)
      %sub3A_209 = arith.constant 2 : i32
      %sub3A_210 = arith.subi %add3A_192, %sub3A_209 : i32
      %mul3A_211 = arith.constant 16 : i32
      %mul3A_212 = arith.muli %sub3A_210, %mul3A_211 : i32
      %add3A_213 = arith.constant 1024 : i32
      %add3A_214 = arith.addi %add3A_213, %mul3A_212 : i32
      %dma_wait3A_215 = tpu.memref_slice %arg8[%add3A_214] : memref<2048xi32, #tpu.memory_space<vmem>> -> memref<16xi32, #tpu.memory_space<vmem>>
      %dma_wait3A_216 = arith.constant 0 : i32
      %dma_wait3A_217 = arith.constant 0 : i32
      %dma_wait3A_218 = tpu.memref_slice %arg5[%dma_wait3A_216, %dma_wait3A_217] : memref<100000x1024xf32, #tpu.memory_space<hbm>> -> memref<100000x1024xf32, #tpu.memory_space<hbm>>
      tpu.wait_indirect_dma semaphore(%arg15 : memref<!tpu.dma_semaphore, #tpu.memory_space<semaphore_mem>>) src(%dma_wait3A_218 : memref<100000x1024xf32, #tpu.memory_space<hbm>>) dst(%arg11 : memref<16x1024xf32, #tpu.memory_space<vmem>>)
      %sub3A_219 = arith.constant 2 : i32
      %sub3A_220 = arith.subi %add3A_192, %sub3A_219 : i32
      %mul3A_221 = arith.constant 16 : i32
      %mul3A_222 = arith.muli %sub3A_220, %mul3A_221 : i32
      %add3A_223 = arith.addi %mul3A_2, %mul3A_222 : i32
      %dma_start3A_224 = arith.constant 0 : i32
      %dma_start3A_225 = tpu.memref_slice %arg7[%add3A_223, %dma_start3A_224] : memref<32768x1024xf32, #tpu.memory_space<hbm>> -> memref<16x1024xf32, #tpu.memory_space<hbm>>
      %dma_start3A_226 = arith.constant 0 : i32
      %dma_start3A_227 = tpu.memref_slice %arg7[%add3A_223, %dma_start3A_226] : memref<32768x1024xf32, #tpu.memory_space<hbm>> -> memref<16x1024xf32, #tpu.memory_space<hbm>>
      tpu.enqueue_dma source(%arg11 : memref<16x1024xf32, #tpu.memory_space<vmem>>) target(%dma_start3A_227 : memref<16x1024xf32, #tpu.memory_space<hbm>>) target_semaphore(%arg19 : memref<!tpu.dma_semaphore, #tpu.memory_space<semaphore_mem>>)
      %mul3A_228 = arith.constant 4 : i32
      %mul3A_229 = arith.muli %mul3A_228, %scan3A_188 : i32
      %add3A_230 = arith.constant 1 : i32
      %add3A_231 = arith.addi %mul3A_229, %add3A_230 : i32
      %sub3A_232 = arith.constant 4 : i32
      %sub3A_233 = arith.subi %add3A_231, %sub3A_232 : i32
      %mul3A_234 = arith.constant 16 : i32
      %mul3A_235 = arith.muli %sub3A_233, %mul3A_234 : i32
      %add3A_236 = arith.addi %mul3A_2, %mul3A_235 : i32
      %dma_wait3A_237 = arith.constant 0 : i32
      %dma_wait3A_238 = tpu.memref_slice %arg7[%add3A_236, %dma_wait3A_237] : memref<32768x1024xf32, #tpu.memory_space<hbm>> -> memref<16x1024xf32, #tpu.memory_space<hbm>>
      %dma_wait3A_239 = arith.constant 0 : i32
      %dma_wait3A_240 = tpu.memref_slice %arg7[%add3A_236, %dma_wait3A_239] : memref<32768x1024xf32, #tpu.memory_space<hbm>> -> memref<16x1024xf32, #tpu.memory_space<hbm>>
      tpu.wait_dma2 semaphore(%arg18 : memref<!tpu.dma_semaphore, #tpu.memory_space<semaphore_mem>>) src(%arg10 : memref<16x1024xf32, #tpu.memory_space<vmem>>) dst(%dma_wait3A_240 : memref<16x1024xf32, #tpu.memory_space<hbm>>)
      %mul3A_241 = arith.constant 16 : i32
      %mul3A_242 = arith.muli %add3A_231, %mul3A_241 : i32
      %add3A_243 = arith.constant 1024 : i32
      %add3A_244 = arith.addi %add3A_243, %mul3A_242 : i32
      %dma_start3A_245 = tpu.memref_slice %arg8[%add3A_244] : memref<2048xi32, #tpu.memory_space<vmem>> -> memref<16xi32, #tpu.memory_space<vmem>>
      %dma_start3A_246 = arith.constant 0 : i32
      %dma_start3A_247 = arith.constant 0 : i32
      %dma_start3A_248 = tpu.memref_slice %arg5[%dma_start3A_246, %dma_start3A_247] : memref<100000x1024xf32, #tpu.memory_space<hbm>> -> memref<100000x1024xf32, #tpu.memory_space<hbm>>
      tpu.enqueue_indirect_dma source(%dma_start3A_248 : memref<100000x1024xf32, #tpu.memory_space<hbm>>) target(%arg10 : memref<16x1024xf32, #tpu.memory_space<vmem>>) offsets(%dma_start3A_245 : memref<16xi32, #tpu.memory_space<vmem>>) semaphore(%arg14 : memref<!tpu.dma_semaphore, #tpu.memory_space<semaphore_mem>>)
      %sub3A_249 = arith.constant 2 : i32
      %sub3A_250 = arith.subi %add3A_231, %sub3A_249 : i32
      %mul3A_251 = arith.constant 16 : i32
      %mul3A_252 = arith.muli %sub3A_250, %mul3A_251 : i32
      %add3A_253 = arith.constant 1024 : i32
      %add3A_254 = arith.addi %add3A_253, %mul3A_252 : i32
      %dma_wait3A_255 = tpu.memref_slice %arg8[%add3A_254] : memref<2048xi32, #tpu.memory_space<vmem>> -> memref<16xi32, #tpu.memory_space<vmem>>
      %dma_wait3A_256 = arith.constant 0 : i32
      %dma_wait3A_257 = arith.constant 0 : i32
      %dma_wait3A_258 = tpu.memref_slice %arg5[%dma_wait3A_256, %dma_wait3A_257] : memref<100000x1024xf32, #tpu.memory_space<hbm>> -> memref<100000x1024xf32, #tpu.memory_space<hbm>>
      tpu.wait_indirect_dma semaphore(%arg16 : memref<!tpu.dma_semaphore, #tpu.memory_space<semaphore_mem>>) src(%dma_wait3A_258 : memref<100000x1024xf32, #tpu.memory_space<hbm>>) dst(%arg12 : memref<16x1024xf32, #tpu.memory_space<vmem>>)
      %sub3A_259 = arith.constant 2 : i32
      %sub3A_260 = arith.subi %add3A_231, %sub3A_259 : i32
      %mul3A_261 = arith.constant 16 : i32
      %mul3A_262 = arith.muli %sub3A_260, %mul3A_261 : i32
      %add3A_263 = arith.addi %mul3A_2, %mul3A_262 : i32
      %dma_start3A_264 = arith.constant 0 : i32
      %dma_start3A_265 = tpu.memref_slice %arg7[%add3A_263, %dma_start3A_264] : memref<32768x1024xf32, #tpu.memory_space<hbm>> -> memref<16x1024xf32, #tpu.memory_space<hbm>>
      %dma_start3A_266 = arith.constant 0 : i32
      %dma_start3A_267 = tpu.memref_slice %arg7[%add3A_263, %dma_start3A_266] : memref<32768x1024xf32, #tpu.memory_space<hbm>> -> memref<16x1024xf32, #tpu.memory_space<hbm>>
      tpu.enqueue_dma source(%arg12 : memref<16x1024xf32, #tpu.memory_space<vmem>>) target(%dma_start3A_267 : memref<16x1024xf32, #tpu.memory_space<hbm>>) target_semaphore(%arg20 : memref<!tpu.dma_semaphore, #tpu.memory_space<semaphore_mem>>)
      %mul3A_268 = arith.constant 4 : i32
      %mul3A_269 = arith.muli %mul3A_268, %scan3A_188 : i32
      %add3A_270 = arith.constant 2 : i32
      %add3A_271 = arith.addi %mul3A_269, %add3A_270 : i32
      %sub3A_272 = arith.constant 4 : i32
      %sub3A_273 = arith.subi %add3A_271, %sub3A_272 : i32
      %mul3A_274 = arith.constant 16 : i32
      %mul3A_275 = arith.muli %sub3A_273, %mul3A_274 : i32
      %add3A_276 = arith.addi %mul3A_2, %mul3A_275 : i32
      %dma_wait3A_277 = arith.constant 0 : i32
      %dma_wait3A_278 = tpu.memref_slice %arg7[%add3A_276, %dma_wait3A_277] : memref<32768x1024xf32, #tpu.memory_space<hbm>> -> memref<16x1024xf32, #tpu.memory_space<hbm>>
      %dma_wait3A_279 = arith.constant 0 : i32
      %dma_wait3A_280 = tpu.memref_slice %arg7[%add3A_276, %dma_wait3A_279] : memref<32768x1024xf32, #tpu.memory_space<hbm>> -> memref<16x1024xf32, #tpu.memory_space<hbm>>
      tpu.wait_dma2 semaphore(%arg19 : memref<!tpu.dma_semaphore, #tpu.memory_space<semaphore_mem>>) src(%arg11 : memref<16x1024xf32, #tpu.memory_space<vmem>>) dst(%dma_wait3A_280 : memref<16x1024xf32, #tpu.memory_space<hbm>>)
      %mul3A_281 = arith.constant 16 : i32
      %mul3A_282 = arith.muli %add3A_271, %mul3A_281 : i32
      %add3A_283 = arith.constant 1024 : i32
      %add3A_284 = arith.addi %add3A_283, %mul3A_282 : i32
      %dma_start3A_285 = tpu.memref_slice %arg8[%add3A_284] : memref<2048xi32, #tpu.memory_space<vmem>> -> memref<16xi32, #tpu.memory_space<vmem>>
      %dma_start3A_286 = arith.constant 0 : i32
      %dma_start3A_287 = arith.constant 0 : i32
      %dma_start3A_288 = tpu.memref_slice %arg5[%dma_start3A_286, %dma_start3A_287] : memref<100000x1024xf32, #tpu.memory_space<hbm>> -> memref<100000x1024xf32, #tpu.memory_space<hbm>>
      tpu.enqueue_indirect_dma source(%dma_start3A_288 : memref<100000x1024xf32, #tpu.memory_space<hbm>>) target(%arg11 : memref<16x1024xf32, #tpu.memory_space<vmem>>) offsets(%dma_start3A_285 : memref<16xi32, #tpu.memory_space<vmem>>) semaphore(%arg15 : memref<!tpu.dma_semaphore, #tpu.memory_space<semaphore_mem>>)
      %sub3A_289 = arith.constant 2 : i32
      %sub3A_290 = arith.subi %add3A_271, %sub3A_289 : i32
      %mul3A_291 = arith.constant 16 : i32
      %mul3A_292 = arith.muli %sub3A_290, %mul3A_291 : i32
      %add3A_293 = arith.constant 1024 : i32
      %add3A_294 = arith.addi %add3A_293, %mul3A_292 : i32
      %dma_wait3A_295 = tpu.memref_slice %arg8[%add3A_294] : memref<2048xi32, #tpu.memory_space<vmem>> -> memref<16xi32, #tpu.memory_space<vmem>>
      %dma_wait3A_296 = arith.constant 0 : i32
      %dma_wait3A_297 = arith.constant 0 : i32
      %dma_wait3A_298 = tpu.memref_slice %arg5[%dma_wait3A_296, %dma_wait3A_297] : memref<100000x1024xf32, #tpu.memory_space<hbm>> -> memref<100000x1024xf32, #tpu.memory_space<hbm>>
      tpu.wait_indirect_dma semaphore(%arg13 : memref<!tpu.dma_semaphore, #tpu.memory_space<semaphore_mem>>) src(%dma_wait3A_298 : memref<100000x1024xf32, #tpu.memory_space<hbm>>) dst(%arg9 : memref<16x1024xf32, #tpu.memory_space<vmem>>)
      %sub3A_299 = arith.constant 2 : i32
      %sub3A_300 = arith.subi %add3A_271, %sub3A_299 : i32
      %mul3A_301 = arith.constant 16 : i32
      %mul3A_302 = arith.muli %sub3A_300, %mul3A_301 : i32
      %add3A_303 = arith.addi %mul3A_2, %mul3A_302 : i32
      %dma_start3A_304 = arith.constant 0 : i32
      %dma_start3A_305 = tpu.memref_slice %arg7[%add3A_303, %dma_start3A_304] : memref<32768x1024xf32, #tpu.memory_space<hbm>> -> memref<16x1024xf32, #tpu.memory_space<hbm>>
      %dma_start3A_306 = arith.constant 0 : i32
      %dma_start3A_307 = tpu.memref_slice %arg7[%add3A_303, %dma_start3A_306] : memref<32768x1024xf32, #tpu.memory_space<hbm>> -> memref<16x1024xf32, #tpu.memory_space<hbm>>
      tpu.enqueue_dma source(%arg9 : memref<16x1024xf32, #tpu.memory_space<vmem>>) target(%dma_start3A_307 : memref<16x1024xf32, #tpu.memory_space<hbm>>) target_semaphore(%arg17 : memref<!tpu.dma_semaphore, #tpu.memory_space<semaphore_mem>>)
      %mul3A_308 = arith.constant 4 : i32
      %mul3A_309 = arith.muli %mul3A_308, %scan3A_188 : i32
      %add3A_310 = arith.constant 3 : i32
      %add3A_311 = arith.addi %mul3A_309, %add3A_310 : i32
      %sub3A_312 = arith.constant 4 : i32
      %sub3A_313 = arith.subi %add3A_311, %sub3A_312 : i32
      %mul3A_314 = arith.constant 16 : i32
      %mul3A_315 = arith.muli %sub3A_313, %mul3A_314 : i32
      %add3A_316 = arith.addi %mul3A_2, %mul3A_315 : i32
      %dma_wait3A_317 = arith.constant 0 : i32
      %dma_wait3A_318 = tpu.memref_slice %arg7[%add3A_316, %dma_wait3A_317] : memref<32768x1024xf32, #tpu.memory_space<hbm>> -> memref<16x1024xf32, #tpu.memory_space<hbm>>
      %dma_wait3A_319 = arith.constant 0 : i32
      %dma_wait3A_320 = tpu.memref_slice %arg7[%add3A_316, %dma_wait3A_319] : memref<32768x1024xf32, #tpu.memory_space<hbm>> -> memref<16x1024xf32, #tpu.memory_space<hbm>>
      tpu.wait_dma2 semaphore(%arg20 : memref<!tpu.dma_semaphore, #tpu.memory_space<semaphore_mem>>) src(%arg12 : memref<16x1024xf32, #tpu.memory_space<vmem>>) dst(%dma_wait3A_320 : memref<16x1024xf32, #tpu.memory_space<hbm>>)
      %mul3A_321 = arith.constant 16 : i32
      %mul3A_322 = arith.muli %add3A_311, %mul3A_321 : i32
      %add3A_323 = arith.constant 1024 : i32
      %add3A_324 = arith.addi %add3A_323, %mul3A_322 : i32
      %dma_start3A_325 = tpu.memref_slice %arg8[%add3A_324] : memref<2048xi32, #tpu.memory_space<vmem>> -> memref<16xi32, #tpu.memory_space<vmem>>
      %dma_start3A_326 = arith.constant 0 : i32
      %dma_start3A_327 = arith.constant 0 : i32
      %dma_start3A_328 = tpu.memref_slice %arg5[%dma_start3A_326, %dma_start3A_327] : memref<100000x1024xf32, #tpu.memory_space<hbm>> -> memref<100000x1024xf32, #tpu.memory_space<hbm>>
      tpu.enqueue_indirect_dma source(%dma_start3A_328 : memref<100000x1024xf32, #tpu.memory_space<hbm>>) target(%arg12 : memref<16x1024xf32, #tpu.memory_space<vmem>>) offsets(%dma_start3A_325 : memref<16xi32, #tpu.memory_space<vmem>>) semaphore(%arg16 : memref<!tpu.dma_semaphore, #tpu.memory_space<semaphore_mem>>)
      %sub3A_329 = arith.constant 2 : i32
      %sub3A_330 = arith.subi %add3A_311, %sub3A_329 : i32
      %mul3A_331 = arith.constant 16 : i32
      %mul3A_332 = arith.muli %sub3A_330, %mul3A_331 : i32
      %add3A_333 = arith.constant 1024 : i32
      %add3A_334 = arith.addi %add3A_333, %mul3A_332 : i32
      %dma_wait3A_335 = tpu.memref_slice %arg8[%add3A_334] : memref<2048xi32, #tpu.memory_space<vmem>> -> memref<16xi32, #tpu.memory_space<vmem>>
      %dma_wait3A_336 = arith.constant 0 : i32
      %dma_wait3A_337 = arith.constant 0 : i32
      %dma_wait3A_338 = tpu.memref_slice %arg5[%dma_wait3A_336, %dma_wait3A_337] : memref<100000x1024xf32, #tpu.memory_space<hbm>> -> memref<100000x1024xf32, #tpu.memory_space<hbm>>
      tpu.wait_indirect_dma semaphore(%arg14 : memref<!tpu.dma_semaphore, #tpu.memory_space<semaphore_mem>>) src(%dma_wait3A_338 : memref<100000x1024xf32, #tpu.memory_space<hbm>>) dst(%arg10 : memref<16x1024xf32, #tpu.memory_space<vmem>>)
      %sub3A_339 = arith.constant 2 : i32
      %sub3A_340 = arith.subi %add3A_311, %sub3A_339 : i32
      %mul3A_341 = arith.constant 16 : i32
      %mul3A_342 = arith.muli %sub3A_340, %mul3A_341 : i32
      %add3A_343 = arith.addi %mul3A_2, %mul3A_342 : i32
      %dma_start3A_344 = arith.constant 0 : i32
      %dma_start3A_345 = tpu.memref_slice %arg7[%add3A_343, %dma_start3A_344] : memref<32768x1024xf32, #tpu.memory_space<hbm>> -> memref<16x1024xf32, #tpu.memory_space<hbm>>
      %dma_start3A_346 = arith.constant 0 : i32
      %dma_start3A_347 = tpu.memref_slice %arg7[%add3A_343, %dma_start3A_346] : memref<32768x1024xf32, #tpu.memory_space<hbm>> -> memref<16x1024xf32, #tpu.memory_space<hbm>>
      tpu.enqueue_dma source(%arg10 : memref<16x1024xf32, #tpu.memory_space<vmem>>) target(%dma_start3A_347 : memref<16x1024xf32, #tpu.memory_space<hbm>>) target_semaphore(%arg18 : memref<!tpu.dma_semaphore, #tpu.memory_space<semaphore_mem>>)
    }
    %scan3A_141 = arith.constant 15 : i32
    %dma_wait3A_142 = arith.constant 2016 : i32
    %dma_wait3A_143 = tpu.memref_slice %arg8[%dma_wait3A_142] : memref<2048xi32, #tpu.memory_space<vmem>> -> memref<16xi32, #tpu.memory_space<vmem>>
    %dma_wait3A_144 = arith.constant 0 : i32
    %dma_wait3A_145 = arith.constant 0 : i32
    %dma_wait3A_146 = tpu.memref_slice %arg5[%dma_wait3A_144, %dma_wait3A_145] : memref<100000x1024xf32, #tpu.memory_space<hbm>> -> memref<100000x1024xf32, #tpu.memory_space<hbm>>
    tpu.wait_indirect_dma semaphore(%arg15 : memref<!tpu.dma_semaphore, #tpu.memory_space<semaphore_mem>>) src(%dma_wait3A_146 : memref<100000x1024xf32, #tpu.memory_space<hbm>>) dst(%arg11 : memref<16x1024xf32, #tpu.memory_space<vmem>>)
    %add3A_147 = arith.constant 992 : i32
    %add3A_148 = arith.addi %mul3A_2, %add3A_147 : i32
    %dma_start3A_149 = arith.constant 0 : i32
    %dma_start3A_150 = tpu.memref_slice %arg7[%add3A_148, %dma_start3A_149] : memref<32768x1024xf32, #tpu.memory_space<hbm>> -> memref<16x1024xf32, #tpu.memory_space<hbm>>
    %dma_start3A_151 = arith.constant 0 : i32
    %dma_start3A_152 = tpu.memref_slice %arg7[%add3A_148, %dma_start3A_151] : memref<32768x1024xf32, #tpu.memory_space<hbm>> -> memref<16x1024xf32, #tpu.memory_space<hbm>>
    tpu.enqueue_dma source(%arg11 : memref<16x1024xf32, #tpu.memory_space<vmem>>) target(%dma_start3A_152 : memref<16x1024xf32, #tpu.memory_space<hbm>>) target_semaphore(%arg19 : memref<!tpu.dma_semaphore, #tpu.memory_space<semaphore_mem>>)
    %dma_wait3A_153 = arith.constant 2032 : i32
    %dma_wait3A_154 = tpu.memref_slice %arg8[%dma_wait3A_153] : memref<2048xi32, #tpu.memory_space<vmem>> -> memref<16xi32, #tpu.memory_space<vmem>>
    %dma_wait3A_155 = arith.constant 0 : i32
    %dma_wait3A_156 = arith.constant 0 : i32
    %dma_wait3A_157 = tpu.memref_slice %arg5[%dma_wait3A_155, %dma_wait3A_156] : memref<100000x1024xf32, #tpu.memory_space<hbm>> -> memref<100000x1024xf32, #tpu.memory_space<hbm>>
    tpu.wait_indirect_dma semaphore(%arg16 : memref<!tpu.dma_semaphore, #tpu.memory_space<semaphore_mem>>) src(%dma_wait3A_157 : memref<100000x1024xf32, #tpu.memory_space<hbm>>) dst(%arg12 : memref<16x1024xf32, #tpu.memory_space<vmem>>)
    %add3A_158 = arith.constant 1008 : i32
    %add3A_159 = arith.addi %mul3A_2, %add3A_158 : i32
    %dma_start3A_160 = arith.constant 0 : i32
    %dma_start3A_161 = tpu.memref_slice %arg7[%add3A_159, %dma_start3A_160] : memref<32768x1024xf32, #tpu.memory_space<hbm>> -> memref<16x1024xf32, #tpu.memory_space<hbm>>
    %dma_start3A_162 = arith.constant 0 : i32
    %dma_start3A_163 = tpu.memref_slice %arg7[%add3A_159, %dma_start3A_162] : memref<32768x1024xf32, #tpu.memory_space<hbm>> -> memref<16x1024xf32, #tpu.memory_space<hbm>>
    tpu.enqueue_dma source(%arg12 : memref<16x1024xf32, #tpu.memory_space<vmem>>) target(%dma_start3A_163 : memref<16x1024xf32, #tpu.memory_space<hbm>>) target_semaphore(%arg20 : memref<!tpu.dma_semaphore, #tpu.memory_space<semaphore_mem>>)
    %add3A_164 = arith.constant 960 : i32
    %add3A_165 = arith.addi %mul3A_2, %add3A_164 : i32
    %dma_wait3A_166 = arith.constant 0 : i32
    %dma_wait3A_167 = tpu.memref_slice %arg7[%add3A_165, %dma_wait3A_166] : memref<32768x1024xf32, #tpu.memory_space<hbm>> -> memref<16x1024xf32, #tpu.memory_space<hbm>>
    %dma_wait3A_168 = arith.constant 0 : i32
    %dma_wait3A_169 = tpu.memref_slice %arg7[%add3A_165, %dma_wait3A_168] : memref<32768x1024xf32, #tpu.memory_space<hbm>> -> memref<16x1024xf32, #tpu.memory_space<hbm>>
    tpu.wait_dma2 semaphore(%arg17 : memref<!tpu.dma_semaphore, #tpu.memory_space<semaphore_mem>>) src(%arg9 : memref<16x1024xf32, #tpu.memory_space<vmem>>) dst(%dma_wait3A_169 : memref<16x1024xf32, #tpu.memory_space<hbm>>)
    %add3A_170 = arith.constant 976 : i32
    %add3A_171 = arith.addi %mul3A_2, %add3A_170 : i32
    %dma_wait3A_172 = arith.constant 0 : i32
    %dma_wait3A_173 = tpu.memref_slice %arg7[%add3A_171, %dma_wait3A_172] : memref<32768x1024xf32, #tpu.memory_space<hbm>> -> memref<16x1024xf32, #tpu.memory_space<hbm>>
    %dma_wait3A_174 = arith.constant 0 : i32
    %dma_wait3A_175 = tpu.memref_slice %arg7[%add3A_171, %dma_wait3A_174] : memref<32768x1024xf32, #tpu.memory_space<hbm>> -> memref<16x1024xf32, #tpu.memory_space<hbm>>
    tpu.wait_dma2 semaphore(%arg18 : memref<!tpu.dma_semaphore, #tpu.memory_space<semaphore_mem>>) src(%arg10 : memref<16x1024xf32, #tpu.memory_space<vmem>>) dst(%dma_wait3A_175 : memref<16x1024xf32, #tpu.memory_space<hbm>>)
    %add3A_176 = arith.constant 992 : i32
    %add3A_177 = arith.addi %mul3A_2, %add3A_176 : i32
    %dma_wait3A_178 = arith.constant 0 : i32
    %dma_wait3A_179 = tpu.memref_slice %arg7[%add3A_177, %dma_wait3A_178] : memref<32768x1024xf32, #tpu.memory_space<hbm>> -> memref<16x1024xf32, #tpu.memory_space<hbm>>
    %dma_wait3A_180 = arith.constant 0 : i32
    %dma_wait3A_181 = tpu.memref_slice %arg7[%add3A_177, %dma_wait3A_180] : memref<32768x1024xf32, #tpu.memory_space<hbm>> -> memref<16x1024xf32, #tpu.memory_space<hbm>>
    tpu.wait_dma2 semaphore(%arg19 : memref<!tpu.dma_semaphore, #tpu.memory_space<semaphore_mem>>) src(%arg11 : memref<16x1024xf32, #tpu.memory_space<vmem>>) dst(%dma_wait3A_181 : memref<16x1024xf32, #tpu.memory_space<hbm>>)
    %add3A_182 = arith.constant 1008 : i32
    %add3A_183 = arith.addi %mul3A_2, %add3A_182 : i32
    %dma_wait3A_184 = arith.constant 0 : i32
    %dma_wait3A_185 = tpu.memref_slice %arg7[%add3A_183, %dma_wait3A_184] : memref<32768x1024xf32, #tpu.memory_space<hbm>> -> memref<16x1024xf32, #tpu.memory_space<hbm>>
    %dma_wait3A_186 = arith.constant 0 : i32
    %dma_wait3A_187 = tpu.memref_slice %arg7[%add3A_183, %dma_wait3A_186] : memref<32768x1024xf32, #tpu.memory_space<hbm>> -> memref<16x1024xf32, #tpu.memory_space<hbm>>
    tpu.wait_dma2 semaphore(%arg20 : memref<!tpu.dma_semaphore, #tpu.memory_space<semaphore_mem>>) src(%arg12 : memref<16x1024xf32, #tpu.memory_space<vmem>>) dst(%dma_wait3A_187 : memref<16x1024xf32, #tpu.memory_space<hbm>>)
    return
  }
}

</mosaic_0001>

<sc_bundles>
// kernel: wrapper.3.cloned.1.call-start
scs
__scs_entry_jumppad:
0x0: {  	(pc) =	sbr.rel $0x88, $3  }
0x1: {  	(tag) =	ssettag $0x0;
	lr =	simm.s32 $0x1  }
0x2: {  	[smem:$0x3F9D] =	sst lr;
	_ =	strace $0xD0000000  }
0x3: {  	_ = 	snop  }
0x4: {  	_ = 	snop  }
0x5: {  	_ = 	snop  }
0x6: {  	_ = 	snop  }
0x7: {  	_ = 	snop  }
__scs_overlays_trampoline_lowered:
0x8: {  	[smem:$0x3FAC] =	sst s0  }
0x9: {  	[smem:$0x3FAD] =	sst s1  }
0xa: {  	[smem:$0x3FAE] =	sst s2  }
0xb: {  	[smem:$0x3FAF] =	sst s3  }
0xc: {  	[smem:$0x3FB0] =	sst s4  }
0xd: {  	[smem:$0x3FB1] =	sst s5  }
0xe: {  	[smem:$0x3FB2] =	sst s6  }
0xf: {  	[smem:$0x3FB3] =	sst s7  }
0x10: {  	[smem:$0x3FB4] =	sst s8  }
0x11: {  	[smem:$0x3FB5] =	sst s9;
	s0 =	simm.s32 @!p0 $0x0  }
0x12: {  	s1 =	sld [smem:$0x3F9B];
	s0 =	simm.s32 @p0 $0x1  }
0x13: {  	[smem:$0x3FB6] =	sst s0;
	s0 =	simm.s32 @!p1 $0x0  }
0x14: {  	s2 =	sld [smem:$0x3F9A];
	s0 =	simm.s32 @p1 $0x1  }
0x15: {  	[smem:$0x3FB7] =	sst s0;
	s0 =	simm.s32 @!p2 $0x0  }
0x16: {  	s3 =	sld [smem:$0x3FDB];
	s0 =	simm.s32 @p2 $0x1  }
0x17: {  	s4 =	simm.s32 $0x1BF5;
	[smem:$0x3FB9] =	sst s0  }
0x18: {  	s0 =	sld [smem:$0x3F9C];
	_ =	swait.ge [sflag:s4], $0x0  }
0x19: {  	s7 =	sld [smem:$0x3F9D]  }
0x1a: {  	s8 =	sadd.s32 $0xFFFFE003, lr  }
0x1b: {  	s9 =	sadd.s32 $0xFFFFFEF7, lr;
	s5 =	simm.s32 $0xFFFFFFFF;
	p2 =	slt.u32 s8, $0xFFFFF086  }
0x1c: {  	p1 =	slt.u32 s9, $0xF7A;
	s5 =	simm.s32 @!p2 $0x0  }
0x1d: {  	s5 =	simm.s32 @p1 $0x1;
	p0 =	seq.s32 s7, s2  }
0x1e: {  	s7 =	smul.u32 @!p0 $0xF7A, s2;
	p2 =	seq.s32 @!p0 s5, $0x0  }
0x1f: {  	s9 =	smul.u32 $0xF7A, s1;
	s8 =	simm.s32 @!p0 $0x1BF5;
	p2 =	por !p2, p0  }
0x20: {  	[sflag:s8] =	ssyncset.s32 @!p0 $0xFFFFF086;
	s6 =	sadd.s32 @!p0 s3, s7;
	s7 =	simm.s32 @!p0 $0x108  }
0x21: {  	s3 =	sadd.s32 s3, s9;
	s6 =	sadd.s32 @!p0 $0x88, s6;
	s7 =	simm.s32 @p2 $0x1082  }
0x22: {  	[simem:s7], [sflag:s8] =	dma.local @!p0 [hbm:s6], $0xF7A  }
0x23: {  	s9 =	sor.u32 $0xD0000000, s2;
	s6 =	simm.s32 $0x108;
	_ =	swait.ge @!p0 [sflag:s8], $0x0  }
0x24: {  	s3 =	sadd.s32 $0x88, s3;
	s6 =	simm.s32 @!p1 $0x1082;
	[sflag:s4] =	ssyncset.s32 $0xFFFFF086  }
0x25: {  	[simem:s6], [sflag:s4] =	dma.local [hbm:s3], $0xF7A  }
0x26: {  	[smem:$0x3F9D] =	sst s1;
	(tag) =	ssettag s2;
	_ =	strace s9  }
0x27: {  	s1 =	sld [smem:$0x3FAD]  }
0x28: {  	s2 =	sld [smem:$0x3FAE]  }
0x29: {  	s4 =	sld [smem:$0x3FB0]  }
0x2a: {  	p0 =	seq.s32 s5, $0x0;
	s5 =	sld [smem:$0x3FB1]  }
0x2b: {  	s6 =	sld [smem:$0x3FB2]  }
0x2c: {  	s7 =	sld [smem:$0x3FB3]  }
0x2d: {  	s3 =	simm.s32 $0x108;
	s8 =	sld [smem:$0x3FB4]  }
0x2e: {  	s3 =	simm.s32 @!p0 $0x1082;
	s9 =	sld [smem:$0x3FB5]  }
0x2f: {  	lr =	sadd.s32 s0, s3;
	s0 =	sld [smem:$0x3FAC]  }
0x30: {  	s3 =	sld [smem:$0x3FAF]  }
0x31: {  	[smem:$0x3FB8] =	sst s10  }
0x32: {  	s10 =	sld [smem:$0x3FB6];
	_ =	sdelay $0x3  }
0x33: {  	p0 =	seq.s32 s10, $0x1;
	s10 =	sld [smem:$0x3FB8];
	_ =	sdelay $0x3  }
0x34: {  	[smem:$0x3FB8] =	sst s10  }
0x35: {  	s10 =	sld [smem:$0x3FB7];
	_ =	sdelay $0x3  }
0x36: {  	p1 =	seq.s32 s10, $0x1;
	s10 =	sld [smem:$0x3FB8];
	_ =	sdelay $0x3  }
0x37: {  	[smem:$0x3FB8] =	sst s10  }
0x38: {  	s10 =	sld [smem:$0x3FB9]  }
0x39: {  	_ = 	snop;
	(pc) =	sbr.ind lr, $3  }
0x3a: {  	_ = 	snop  }
0x3b: {  	_ = 	snop  }
0x3c: {  	p2 =	seq.s32 s10, $0x1;
	s10 =	sld [smem:$0x3FB8]  }
0x3d: {  	_ =	shalt  }
0x3e: {  	_ =	shalt  }
0x3f: {  	_ =	shalt  }
0x40: {  	_ =	shalt  }
0x41: {  	_ =	shalt  }
0x42: {  	_ =	shalt  }
0x43: {  	_ =	shalt  }
0x44: {  	_ =	shalt  }
0x45: {  	_ =	shalt  }
0x46: {  	_ =	shalt  }
0x47: {  	_ =	shalt  }
0x48: {  	_ =	shalt  }
0x49: {  	_ =	shalt  }
0x4a: {  	_ =	shalt  }
0x4b: {  	_ =	shalt  }
0x4c: {  	_ =	shalt  }
0x4d: {  	_ =	shalt  }
0x4e: {  	_ =	shalt  }
0x4f: {  	_ =	shalt  }
0x50: {  	_ =	shalt  }
0x51: {  	_ =	shalt  }
0x52: {  	_ =	shalt  }
0x53: {  	_ =	shalt  }
0x54: {  	_ =	shalt  }
0x55: {  	_ =	shalt  }
0x56: {  	_ =	shalt  }
0x57: {  	_ =	shalt  }
0x58: {  	_ =	shalt  }
0x59: {  	_ =	shalt  }
0x5a: {  	_ =	shalt  }
0x5b: {  	_ =	shalt  }
0x5c: {  	_ =	shalt  }
0x5d: {  	_ =	shalt  }
0x5e: {  	_ =	shalt  }
0x5f: {  	_ =	shalt  }
0x60: {  	_ =	shalt  }
0x61: {  	_ =	shalt  }
0x62: {  	_ =	shalt  }
0x63: {  	_ =	shalt  }
0x64: {  	_ =	shalt  }
0x65: {  	_ =	shalt  }
0x66: {  	_ =	shalt  }
0x67: {  	_ =	shalt  }
0x68: {  	_ =	shalt  }
0x69: {  	_ =	shalt  }
0x6a: {  	_ =	shalt  }
0x6b: {  	_ =	shalt  }
0x6c: {  	_ =	shalt  }
0x6d: {  	_ =	shalt  }
0x6e: {  	_ =	shalt  }
0x6f: {  	_ =	shalt  }
0x70: {  	_ =	shalt  }
0x71: {  	_ =	shalt  }
0x72: {  	_ =	shalt  }
0x73: {  	_ =	shalt  }
0x74: {  	_ =	shalt  }
0x75: {  	_ =	shalt  }
0x76: {  	_ =	shalt  }
0x77: {  	_ =	shalt  }
0x78: {  	_ =	shalt  }
0x79: {  	_ =	shalt  }
0x7a: {  	_ =	shalt  }
0x7b: {  	_ =	shalt  }
0x7c: {  	_ =	shalt  }
0x7d: {  	_ =	shalt  }
0x7e: {  	_ =	shalt  }
0x7f: {  	_ =	shalt  }
0x80: {  	_ =	shalt  }
0x81: {  	_ =	shalt  }
0x82: {  	_ =	shalt  }
0x83: {  	_ =	shalt  }
0x84: {  	_ =	shalt  }
0x85: {  	_ =	shalt  }
0x86: {  	_ =	shalt  }
0x87: {  	_ =	shalt  }
.Lfunc_end0:
.L_simem_size_0:
called_computation_lowered:
.L_overlay_start_0:
0x88: {  	s2 =	sld [smem:$0x3FD9]  }
0x89: {  	s3 =	sld [smem:$0x3FFE];
	_ =	sdelay $0x1  }
0x8a: {  	s1 =	srdreg.scid  }
0x8b: {  	s0 =	sand.u32 $0x1, s1  }
0x8c: {  	s15 =	sshll.u32 s0, $0xA;
	s2 =	sadd.s32 s3, s2  }
0x8d: {  	s2 =	sadd.s32 s2, s15  }
0x8e: {  	[smem:$0x3FC4] =	sst s2  }
0x8f: {  	_ = 	snop  }
0x90: {  	s2 =	sld [smem:$0x3FC9]  }
0x91: {  	s16 =	sld [smem:$0x3FD0]  }
0x92: {  	s4 =	sld [smem:$0x3FC8]  }
0x93: {  	s5 =	sld [smem:$0x3FC7]  }
0x94: {  	s7 =	simm.s32 $0xA;
	s8 =	simm.s32 $0x10;
	s6 =	sld [smem:$0x3FC6]  }
0x95: {  	[smem:s8], [sflag:s7] =	dma.local [hbm:s16], $0x1  }
0x96: {  	_ =	swait.eq [sflag:s7], $0x1  }
0x97: {  	[sflag:s7] =	ssyncset.done $0x0  }
0x98: {  	s17 =	sld [smem:$0x10];
	[sflag:s7] =	ssyncadd.s32 $0xFFFFFFFF  }
0x99: {  	s18 =	sld [smem:$0x11];
	(tm) =	ssettm $0x1  }
0x9a: {  	s19 =	sld [smem:$0x3FFB];
	_ =	sdelay $0x3  }
0x9b: {  	_ =	strace s19  }
0x9c: {  	s8 =	sld [smem:$0x3FFC];
	_ =	sdelay $0x3  }
0x9d: {  	_ =	strace s8  }
0x9e: {  	s8 =	sld [smem:$0x3FFD];
	_ =	sdelay $0x3  }
0x9f: {  	_ =	strace s8  }
0xa0: {  	_ =	strace $0x8FFFFFFF  }
0xa1: {  	s20 =	sld [smem:$0x3FDB];
	_ =	sdelay $0x1  }
0xa2: {  	s9 =	simm.s32 $_scs_section_size  }
0xa3: {  	s10 =	simm.s32 $_size__tile_overlayer_lowered;
	s11 =	simm.s32 $_tile_overlayer_lowered  }
0xa4: {  	s23 =	simm.s32 $0x1BFF;
	s22 =	sshll.u32 s11, $0x1;
	s8 =	sadd.s32 s9, s20  }
0xa5: {  	s12 =	simm.s32 $0x0;
	s21 =	sshll.u32 s10, $0x1;
	s10 =	sadd.s32 s22, s8  }
0xa6: {  	[timem:s12], [sflag:s23] =	dma.local [hbm:s10], s21  }
0xa7: {  	_ =	swait.ge [sflag:s23], s21  }
0xa8: {  	s9 =	ssub.s32 $0x0, s21;
	[sflag:s23] =	ssyncset.done $0x0  }
0xa9: {  	[sflag:s23] =	ssyncadd.s32 s9;
	_ =	sdelay $0x1  }
0xaa: {  	s24 =	simm.s32 $0x1B8B  }
0xab: {  	_ =	swait.ge [sflag:s24], $0x1  }
0xac: {  	[sflag:s24] =	ssyncset.done $0x0  }
0xad: {  	s25 =	simm.s32 $0x1B8E;
	[sflag:s24] =	ssyncadd.s32 $0xFFFFFFFF  }
0xae: {  	s26 =	simm.s32 $execute0_lowered;
	[smem:$0x3FD2] =	sst s25  }
0xaf: {  	s9 =	sshll.u32 s26, $0x1;
	_ =	strace $0x80000046;
	[dreg:$0x1] =	wrdreg $0xFFFFFFFF  }
0xb0: {  	s28 =	simm.s32 $_size_execute0_lowered;
	s8 =	sadd.s32 s8, s9;
	[dreg:$0x0] =	wrdreg $0x0  }
0xb1: {  	s9 =	sshll.u32 s28, $0x1;
	[dreg:$0x2] =	wrdreg s8  }
0xb2: {  	[dreg:$0x3] =	wrdreg s9  }
0xb3: {  	[dreg:$0x4] =	wrdreg $0xC0  }
0xb4: {  	_ =	task [dreg:s12], $0x5FFFF  }
0xb5: {  	[dreg:$0x1] =	wrdreg $0xFFFFFFFF  }
0xb6: {  	[dreg:$0x0] =	wrdreg $0x60  }
0xb7: {  	[dreg:$0x2] =	wrdreg s2  }
0xb8: {  	[dreg:$0x3] =	wrdreg s4  }
0xb9: {  	[dreg:$0x4] =	wrdreg s5  }
0xba: {  	[dreg:$0x5] =	wrdreg s6  }
0xbb: {  	[dreg:$0x6] =	wrdreg s17  }
0xbc: {  	[dreg:$0x7] =	wrdreg s18  }
0xbd: {  	[dreg:$0x8] =	wrdreg $0x9  }
0xbe: {  	_ =	task.clear_ibuf [dreg:s12], $0x9FFFF;
	_ =	strace $0x90000046  }
0xbf: {  	s29 =	simm.s32 $0x9;
	_ =	strace $0x80000048  }
0xc0: {  	_ =	swait.ge [sflag:s29], $0x1  }
0xc1: {  	[sflag:s29] =	ssyncadd.s32 $0xFFFFFFFF  }
0xc2: {  	_ =	strace $0x90000048  }
0xc3: {  	_ =	sfence  }
0xc4: {  	s30 =	sld [smem:$0x0];
	_ =	sdelay $0x2  }
0xc5: {  	s31 =	sshll.u32 s1, $0xD;
	s1 =	sshrl.u32 s1, $0x2  }
0xc6: {  	s3 =	sand.u32 $0x4000, s31;
	s1 =	sadd.s32 s1, s30  }
0xc7: {  	s0 =	sor.u32 s3, s0;
	s1 =	sshll.u32 s1, $0x11  }
0xc8: {  	s0 =	sor.u32 s1, s0  }
0xc9: {  	s0 =	sadd.s32 $0x8F2B, s0  }
0xca: {  	[sflag:s0] =	ssyncadd.remote.s32 $0x1  }
0xcb: {  	_ =	sfence.sel $0xFFFF  }
0xcc: {  	[dreg:$0x0] =	wrdreg $0xFFFFFFFF;
	(pc) =	sbr.abs _section_cstart, $3  }
0xcd: {  	[dreg:$0x1] =	wrdreg $0xFFFFFFFF  }
0xce: {  	_ =	task.clear_ibuf [dreg:s12], $0x2FFFF;
	_ =	strace $0x9FFFFFFF  }
0xcf: {  	(tm) =	ssettm $0x7FFFFFFF  }
tec
execute0_lowered:
.L_overlay_start_1:
0x0: {  	(tag) =	ssettag $0x1  }
0x1: {  	s0 =	rddreg [dreg:$0x0]  }
0x2: {  	s3 =	rddreg [dreg:$0x1]  }
0x3: {  	s1 =	rddreg [dreg:$0x2]  }
0x4: {  	s2 =	rddreg [dreg:$0x3]  }
0x5: {  	s5 =	rddreg [dreg:$0x4]  }
0x6: {  	s9 =	rddreg [dreg:$0x5]  }
0x7: {  	s6 =	srdreg.scid;
	s4 =	simm.s32 $0x0;
	s17 =	stileid.u32  }
0x8: {  	s28 =	simm.s32 $0x1800;
	s29 =	simm.s32 $0xF800;
	s30 =	simm.s32 $0x10000  }
0x9: {  	s10 =	sand.u32 $0x1, s6;
	s7 =	sshll.u32 s17, $0xB;
	[smem:$0x7FF] =	sst s4  }
0xa: {  	s13 =	sadd.s32 $0x200, s2;
	s14 =	sadd.s32 $0x300, s2;
	s24 =	sshll.u32 s17, $0x12  }
0xb: {  	s17 =	simm.s32 $0x8800;
	s6 =	ssub.s32 $0x2, s10;
	s8 =	sshll.u32 s10, $0xA  }
0xc: {  	_ =	strace $0x80000047;
	s10 =	sshll.u32 s10, $0x11;
	s11 =	sshrl.u32 s6, $0x1  }
0xd: {  	s7 =	sor.u32 s8, s7;
	s8 =	sadd.s32 $0x300, s1;
	s11 =	ssub.s32 s6, s11  }
0xe: {  	s12 =	sshrl.u32 s7, $0x3;
	s6 =	sadd.s32 $0x100, s1;
	s19 =	sshll.u32 s7, $0x7  }
0xf: {  	s7 =	sadd.s32 $0x200, s1;
	s0 =	sadd.s32 s0, s12;
	s15 =	sor.u32 $0x800, s19  }
0x10: {  	s3 =	sadd.s32 s3, s12;
	s20 =	sadd.s32 s5, s19;
	[dreg:$0x9] =	wrdreg s0  }
0x11: {  	s12 =	sadd.s32 $0x100, s2;
	s22 =	sor.u32 $0x1F000, s19;
	[dreg:$0xa] =	wrdreg s3  }
0x12: {  	s23 =	sor.u32 $0x1F800, s19;
	s31 =	smax.u32 s11, $0x1;
	[dreg:$0xb] =	wrdreg s20  }
0x13: {  	s11 =	simm.s32 $0x2;
	s21 =	sadd.s32 s5, s15;
	[dreg:$0x13] =	wrdreg s31  }
0x14: {  	s16 =	sadd.s32 s5, s22;
	s18 =	sadd.s32 s5, s23;
	[dreg:$0xc] =	wrdreg s21  }
0x15: {  	s0 =	sadd.s32 s9, s19;
	s15 =	sadd.s32 s9, s15;
	[dreg:$0xd] =	wrdreg s16  }
0x16: {  	s5 =	sadd.s32 s24, s5;
	s3 =	sadd.s32 s9, s22;
	[dreg:$0xe] =	wrdreg s18  }
0x17: {  	s26 =	sadd.s32 s9, s23;
	s23 =	simm.s32 $0x800;
	[dreg:$0xf] =	wrdreg s0  }
0x18: {  	s19 =	simm.s32 $0x4;
	s20 =	simm.s32 $0x7;
	[dreg:$0x10] =	wrdreg s15  }
0x19: {  	[dreg:$0x11] =	wrdreg s3;
	s25 =	sadd.s32 s10, s5;
	s0 =	sadd.s32 s24, s9  }
0x1a: {  	[dreg:$0x12] =	wrdreg s26;
	s26 =	simm.s32 $0xC800;
	s15 =	simm.s32 $0x5  }
0x1b: {  	s16 =	simm.s32 $0x3;
	s18 =	simm.s32 $0x6;
	s21 =	simm.s32 $0x8  }
0x1c: {  	v2 =	vlaneseq.u32;
	s3 =	simm.s32 $0x0;
	s5 =	simm.s32 $0xE800;
	s9 =	simm.s32 $0xF000  }
0x1d: {  	vm0 =	vmmov $0xffff;
	v1 =	vshrl.u32 v2, $0x3;
	[dreg:$0x7] =	wrdreg s25;
	s0 =	sadd.s32 s10, s0;
	s25 =	simm.s32 $0x1000  }
0x1e: {  	v0 =	vand.u32 $0x7, v2;
	v2 =	vor.u32 $0x8, v2;
	v1 =	vmul.u32 $0x8, v1;
	s10 =	simm.s32 $0x1;
	[dreg:$0x8] =	wrdreg s0;
	s0 =	simm.s32 $0x4800  }
.LBB2_1:
0x1f: {  	[dreg:$0x14] =	wrdreg s3  }
0x20: {  	s22 =	rddreg [dreg:$0x9];
	s31 =	simm.s32 $0x9  }
0x21: {  	[tilespmem:s4], [sflag:$0x9] =	stream.linear.gather [hbm4b:s22+s4], $0x400, $0x38;
	[tilespmem:$0x10800] =	vst v63  }
0x22: {  	_ =	swait.ge [sflag:s31], $0x400  }
0x23: {  	[sflag:s31] =	ssyncset.done $0x0  }
0x24: {  	[sflag:s31] =	ssyncadd.s32 $0xFFFFFC00  }
0x25: {  	v3 =	vld [tilespmem:$0x0];
	_ =	sdelay $0x4  }
0x26: {  	v4 =	vshll.u32 v3, $0x3  }
0x27: {  	v3 =	vand.u32 $0x7, v3;
	v4 =	vand.u32 $0xFFFFFFC0, v4  }
0x28: {  	v3 =	vor.u32 v3, v4  }
0x29: {  	v4 =	vperm.xlane v3, v0;
	_ =	sdelay $0x1  }
0x2a: {  	v4 =	vadd.s32 v1, v4;
	_ =	sdelay $0x4  }
0x2b: {  	[tilespmem:s23], [sflag:$0x1] =	stream.indirect_vreg.gather [hbm4b:s1+s4], $0x80, v4, vm0, $0xb8;
	[tilespmem:$0x10800] =	vst v63  }
0x2c: {  	v3 =	vperm.xlane v3, v2  }
0x2d: {  	[tilespmem:s25], [sflag:$0x1] =	stream.indirect_vreg.gather [hbm4b:s6+s4], $0x80, v4, vm0, $0xb8;
	[tilespmem:$0x10800] =	vst v63  }
0x2e: {  	v3 =	vadd.s32 v1, v3  }
0x2f: {  	[tilespmem:s28], [sflag:$0x1] =	stream.indirect_vreg.gather [hbm4b:s7+s4], $0x80, v4, vm0, $0xb8;
	[tilespmem:$0x10800] =	vst v63  }
0x30: {  	s22 =	simm.s32 $0x2000  }
0x31: {  	[tilespmem:s22], [sflag:$0x1] =	stream.indirect_vreg.gather [hbm4b:s8+s4], $0x80, v4, vm0, $0xb8;
	[tilespmem:$0x10800] =	vst v63  }
0x32: {  	s24 =	simm.s32 $0x2800  }
0x33: {  	[tilespmem:s24], [sflag:$0x1] =	stream.indirect_vreg.gather [hbm4b:s1+s4], $0x80, v3, vm0, $0xb8;
	[tilespmem:$0x10800] =	vst v63  }
0x34: {  	s22 =	simm.s32 $0x3000  }
0x35: {  	[tilespmem:s22], [sflag:$0x1] =	stream.indirect_vreg.gather [hbm4b:s6+s4], $0x80, v3, vm0, $0xb8;
	[tilespmem:$0x10800] =	vst v63  }
0x36: {  	s24 =	simm.s32 $0x3800  }
0x37: {  	[tilespmem:s24], [sflag:$0x1] =	stream.indirect_vreg.gather [hbm4b:s7+s4], $0x80, v3, vm0, $0xb8;
	[tilespmem:$0x10800] =	vst v63  }
0x38: {  	s22 =	simm.s32 $0x4000  }
0x39: {  	[tilespmem:s22], [sflag:$0x1] =	stream.indirect_vreg.gather [hbm4b:s8+s4], $0x80, v3, vm0, $0xb8;
	[tilespmem:$0x10800] =	vst v63  }
0x3a: {  	v3 =	vld [tilespmem:$0x10];
	_ =	sdelay $0x4  }
0x3b: {  	v61 =	vshll.u32 v3, $0x3  }
0x3c: {  	v3 =	vand.u32 $0x7, v3;
	v4 =	vand.u32 $0xFFFFFFC0, v61  }
0x3d: {  	v3 =	vor.u32 v3, v4  }
0x3e: {  	v4 =	vperm.xlane v3, v0;
	_ =	sdelay $0x1  }
0x3f: {  	v4 =	vadd.s32 v1, v4;
	_ =	sdelay $0x4  }
0x40: {  	[tilespmem:s0], [sflag:$0x2] =	stream.indirect_vreg.gather [hbm4b:s1+s4], $0x80, v4, vm0, $0xb8;
	[tilespmem:$0x10800] =	vst v63  }
0x41: {  	s24 =	simm.s32 $0x5000;
	v3 =	vperm.xlane v3, v2  }
0x42: {  	[tilespmem:s24], [sflag:$0x2] =	stream.indirect_vreg.gather [hbm4b:s6+s4], $0x80, v4, vm0, $0xb8;
	[tilespmem:$0x10800] =	vst v63  }
0x43: {  	s22 =	simm.s32 $0x5800;
	v3 =	vadd.s32 v1, v3  }
0x44: {  	[tilespmem:s22], [sflag:$0x2] =	stream.indirect_vreg.gather [hbm4b:s7+s4], $0x80, v4, vm0, $0xb8;
	[tilespmem:$0x10800] =	vst v63  }
0x45: {  	s24 =	simm.s32 $0x6000  }
0x46: {  	[tilespmem:s24], [sflag:$0x2] =	stream.indirect_vreg.gather [hbm4b:s8+s4], $0x80, v4, vm0, $0xb8;
	[tilespmem:$0x10800] =	vst v63  }
0x47: {  	s22 =	simm.s32 $0x6800  }
0x48: {  	[tilespmem:s22], [sflag:$0x2] =	stream.indirect_vreg.gather [hbm4b:s1+s4], $0x80, v3, vm0, $0xb8;
	[tilespmem:$0x10800] =	vst v63  }
0x49: {  	s24 =	simm.s32 $0x7000  }
0x4a: {  	[tilespmem:s24], [sflag:$0x2] =	stream.indirect_vreg.gather [hbm4b:s6+s4], $0x80, v3, vm0, $0xb8;
	[tilespmem:$0x10800] =	vst v63  }
0x4b: {  	s22 =	simm.s32 $0x7800  }
0x4c: {  	[tilespmem:s22], [sflag:$0x2] =	stream.indirect_vreg.gather [hbm4b:s7+s4], $0x80, v3, vm0, $0xb8;
	[tilespmem:$0x10800] =	vst v63  }
0x4d: {  	s24 =	simm.s32 $0x8000  }
0x4e: {  	[tilespmem:s24], [sflag:$0x2] =	stream.indirect_vreg.gather [hbm4b:s8+s4], $0x80, v3, vm0, $0xb8;
	[tilespmem:$0x10800] =	vst v63  }
0x4f: {  	v3 =	vld [tilespmem:$0x20];
	_ =	sdelay $0x4  }
0x50: {  	v62 =	vshll.u32 v3, $0x3  }
0x51: {  	v3 =	vand.u32 $0x7, v3;
	v4 =	vand.u32 $0xFFFFFFC0, v62  }
0x52: {  	v3 =	vor.u32 v3, v4  }
0x53: {  	v4 =	vperm.xlane v3, v0;
	_ =	sdelay $0x1  }
0x54: {  	v4 =	vadd.s32 v1, v4;
	_ =	sdelay $0x4  }
0x55: {  	[tilespmem:s17], [sflag:$0x3] =	stream.indirect_vreg.gather [hbm4b:s1+s4], $0x80, v4, vm0, $0xb8;
	[tilespmem:$0x10800] =	vst v63  }
0x56: {  	s22 =	simm.s32 $0x9000;
	v3 =	vperm.xlane v3, v2  }
0x57: {  	[tilespmem:s22], [sflag:$0x3] =	stream.indirect_vreg.gather [hbm4b:s6+s4], $0x80, v4, vm0, $0xb8;
	[tilespmem:$0x10800] =	vst v63  }
0x58: {  	s24 =	simm.s32 $0x9800;
	v3 =	vadd.s32 v1, v3  }
0x59: {  	[tilespmem:s24], [sflag:$0x3] =	stream.indirect_vreg.gather [hbm4b:s7+s4], $0x80, v4, vm0, $0xb8;
	[tilespmem:$0x10800] =	vst v63  }
0x5a: {  	s22 =	simm.s32 $0xA000  }
0x5b: {  	[tilespmem:s22], [sflag:$0x3] =	stream.indirect_vreg.gather [hbm4b:s8+s4], $0x80, v4, vm0, $0xb8;
	[tilespmem:$0x10800] =	vst v63  }
0x5c: {  	s24 =	simm.s32 $0xA800  }
0x5d: {  	[tilespmem:s24], [sflag:$0x3] =	stream.indirect_vreg.gather [hbm4b:s1+s4], $0x80, v3, vm0, $0xb8;
	[tilespmem:$0x10800] =	vst v63  }
0x5e: {  	s22 =	simm.s32 $0xB000  }
0x5f: {  	[tilespmem:s22], [sflag:$0x3] =	stream.indirect_vreg.gather [hbm4b:s6+s4], $0x80, v3, vm0, $0xb8;
	[tilespmem:$0x10800] =	vst v63  }
0x60: {  	s24 =	simm.s32 $0xB800  }
0x61: {  	[tilespmem:s24], [sflag:$0x3] =	stream.indirect_vreg.gather [hbm4b:s7+s4], $0x80, v3, vm0, $0xb8;
	[tilespmem:$0x10800] =	vst v63  }
0x62: {  	s22 =	simm.s32 $0xC000  }
0x63: {  	[tilespmem:s22], [sflag:$0x3] =	stream.indirect_vreg.gather [hbm4b:s8+s4], $0x80, v3, vm0, $0xb8;
	[tilespmem:$0x10800] =	vst v63  }
0x64: {  	v3 =	vld [tilespmem:$0x30];
	_ =	sdelay $0x4  }
0x65: {  	v63 =	vshll.u32 v3, $0x3  }
0x66: {  	v3 =	vand.u32 $0x7, v3;
	v4 =	vand.u32 $0xFFFFFFC0, v63  }
0x67: {  	v3 =	vor.u32 v3, v4  }
0x68: {  	v4 =	vperm.xlane v3, v0;
	_ =	sdelay $0x1  }
0x69: {  	v4 =	vadd.s32 v1, v4;
	_ =	sdelay $0x4  }
0x6a: {  	[tilespmem:s26], [sflag:$0x4] =	stream.indirect_vreg.gather [hbm4b:s1+s4], $0x80, v4, vm0, $0xb8;
	[tilespmem:$0x10800] =	vst v63  }
0x6b: {  	s24 =	simm.s32 $0xD000;
	v3 =	vperm.xlane v3, v2  }
0x6c: {  	[tilespmem:s24], [sflag:$0x4] =	stream.indirect_vreg.gather [hbm4b:s6+s4], $0x80, v4, vm0, $0xb8;
	[tilespmem:$0x10800] =	vst v63  }
0x6d: {  	s22 =	simm.s32 $0xD800;
	v3 =	vadd.s32 v1, v3  }
0x6e: {  	[tilespmem:s22], [sflag:$0x4] =	stream.indirect_vreg.gather [hbm4b:s7+s4], $0x80, v4, vm0, $0xb8;
	[tilespmem:$0x10800] =	vst v63  }
0x6f: {  	s3 =	simm.s32 $0xE000  }
0x70: {  	[tilespmem:s3], [sflag:$0x4] =	stream.indirect_vreg.gather [hbm4b:s8+s4], $0x80, v4, vm0, $0xb8;
	[tilespmem:$0x10800] =	vst v63  }
0x71: {  	_ = 	snop  }
0x72: {  	[tilespmem:s5], [sflag:$0x4] =	stream.indirect_vreg.gather [hbm4b:s1+s4], $0x80, v3, vm0, $0xb8;
	[tilespmem:$0x10800] =	vst v63  }
0x73: {  	_ = 	snop  }
0x74: {  	[tilespmem:s9], [sflag:$0x4] =	stream.indirect_vreg.gather [hbm4b:s6+s4], $0x80, v3, vm0, $0xb8;
	[tilespmem:$0x10800] =	vst v63  }
0x75: {  	_ = 	snop  }
0x76: {  	[tilespmem:s29], [sflag:$0x4] =	stream.indirect_vreg.gather [hbm4b:s7+s4], $0x80, v3, vm0, $0xb8;
	[tilespmem:$0x10800] =	vst v63  }
0x77: {  	_ = 	snop  }
0x78: {  	[tilespmem:s30], [sflag:$0x4] =	stream.indirect_vreg.gather [hbm4b:s8+s4], $0x80, v3, vm0, $0xb8;
	[tilespmem:$0x10800] =	vst v63  }
0x79: {  	s24 =	simm.s32 $0x400;
	s22 =	rddreg [dreg:$0xa]  }
0x7a: {  	[tilespmem:s24], [sflag:$0x9] =	stream.linear.gather [hbm4b:s22+s4], $0x400, $0x38;
	[tilespmem:$0x10800] =	vst v63  }
0x7b: {  	_ =	swait.ge [sflag:s31], $0x400  }
0x7c: {  	[sflag:s31] =	ssyncset.done $0x0  }
0x7d: {  	[sflag:s31] =	ssyncadd.s32 $0xFFFFFC00  }
0x7e: {  	_ =	swait.ge [sflag:s10], $0x4000  }
0x7f: {  	[sflag:s10] =	ssyncset.done $0x0  }
0x80: {  	s24 =	rddreg [dreg:$0xb];
	[sflag:s10] =	ssyncadd.s32 $0xFFFFC000  }
0x81: {  	[hbm4b:s24+s4] =	stream.linear.scatter [tilespmem:s23], [sflag:$0x5], $0x4000, $0x38;
	[tilespmem:$0x10800] =	vst v63  }
0x82: {  	_ =	swait.ge [sflag:s11], $0x4000  }
0x83: {  	s22 =	simm.s32 $0x70;
	[sflag:s11] =	ssyncset.done $0x0  }
0x84: {  	s24 =	simm.s32 $0x0;
	s31 =	rddreg [dreg:$0xc];
	[sflag:s11] =	ssyncadd.s32 $0xFFFFC000  }
0x85: {  	[hbm4b:s31+s4] =	stream.linear.scatter [tilespmem:s0], [sflag:$0x6], $0x4000, $0x38;
	[tilespmem:$0x10800] =	vst v63  }
.LBB2_2:
0x86: {  	_ =	swait.ge [sflag:s15], $0x4000  }
0x87: {  	[sflag:s15] =	ssyncset.done $0x0  }
0x88: {  	[sflag:s15] =	ssyncadd.s32 $0xFFFFC000  }
0x89: {  	v3 =	vld [tilespmem:s22+$0xFFFFFFD0];
	_ =	sdelay $0x4  }
0x8a: {  	v4 =	vshll.u32 v3, $0x3  }
0x8b: {  	v3 =	vand.u32 $0x7, v3;
	v4 =	vand.u32 $0xFFFFFFC0, v4  }
0x8c: {  	v3 =	vor.u32 v3, v4  }
0x8d: {  	v4 =	vperm.xlane v3, v0;
	_ =	sdelay $0x1  }
0x8e: {  	v4 =	vadd.s32 v1, v4;
	_ =	sdelay $0x4  }
0x8f: {  	[tilespmem:s23], [sflag:$0x1] =	stream.indirect_vreg.gather [hbm4b:s1+s4], $0x80, v4, vm0, $0xb8;
	[tilespmem:$0x10800] =	vst v63  }
0x90: {  	v3 =	vperm.xlane v3, v2  }
0x91: {  	[tilespmem:s25], [sflag:$0x1] =	stream.indirect_vreg.gather [hbm4b:s6+s4], $0x80, v4, vm0, $0xb8;
	[tilespmem:$0x10800] =	vst v63  }
0x92: {  	v3 =	vadd.s32 v1, v3  }
0x93: {  	[tilespmem:s28], [sflag:$0x1] =	stream.indirect_vreg.gather [hbm4b:s7+s4], $0x80, v4, vm0, $0xb8;
	[tilespmem:$0x10800] =	vst v63  }
0x94: {  	s31 =	simm.s32 $0x2000  }
0x95: {  	[tilespmem:s31], [sflag:$0x1] =	stream.indirect_vreg.gather [hbm4b:s8+s4], $0x80, v4, vm0, $0xb8;
	[tilespmem:$0x10800] =	vst v63  }
0x96: {  	s31 =	simm.s32 $0x2800  }
0x97: {  	[tilespmem:s31], [sflag:$0x1] =	stream.indirect_vreg.gather [hbm4b:s1+s4], $0x80, v3, vm0, $0xb8;
	[tilespmem:$0x10800] =	vst v63  }
0x98: {  	s31 =	simm.s32 $0x3000  }
0x99: {  	[tilespmem:s31], [sflag:$0x1] =	stream.indirect_vreg.gather [hbm4b:s6+s4], $0x80, v3, vm0, $0xb8;
	[tilespmem:$0x10800] =	vst v63  }
0x9a: {  	s31 =	simm.s32 $0x3800  }
0x9b: {  	[tilespmem:s31], [sflag:$0x1] =	stream.indirect_vreg.gather [hbm4b:s7+s4], $0x80, v3, vm0, $0xb8;
	[tilespmem:$0x10800] =	vst v63  }
0x9c: {  	s31 =	simm.s32 $0x4000  }
0x9d: {  	[tilespmem:s31], [sflag:$0x1] =	stream.indirect_vreg.gather [hbm4b:s8+s4], $0x80, v3, vm0, $0xb8;
	[tilespmem:$0x10800] =	vst v63  }
0x9e: {  	_ =	swait.ge [sflag:s16], $0x4000  }
0x9f: {  	s31 =	rddreg [dreg:$0x7]  }
0xa0: {  	[sflag:s16] =	ssyncset.done $0x0;
	s25 =	sadd.s32 s24, s31  }
0xa1: {  	[sflag:s16] =	ssyncadd.s32 $0xFFFFC000;
	s28 =	sadd.s32 $0x1000, s25  }
0xa2: {  	[hbm4b:s28+s4] =	stream.linear.scatter [tilespmem:s17], [sflag:$0x7], $0x4000, $0x38;
	[tilespmem:$0x10800] =	vst v63  }
0xa3: {  	_ =	swait.ge [sflag:s18], $0x4000  }
0xa4: {  	[sflag:s18] =	ssyncset.done $0x0  }
0xa5: {  	[sflag:s18] =	ssyncadd.s32 $0xFFFFC000  }
0xa6: {  	v3 =	vld [tilespmem:s22+$0xFFFFFFE0];
	_ =	sdelay $0x4  }
0xa7: {  	v61 =	vshll.u32 v3, $0x3  }
0xa8: {  	v3 =	vand.u32 $0x7, v3;
	v4 =	vand.u32 $0xFFFFFFC0, v61  }
0xa9: {  	v3 =	vor.u32 v3, v4  }
0xaa: {  	v4 =	vperm.xlane v3, v0;
	_ =	sdelay $0x1  }
0xab: {  	v4 =	vadd.s32 v1, v4;
	_ =	sdelay $0x4  }
0xac: {  	[tilespmem:s0], [sflag:$0x2] =	stream.indirect_vreg.gather [hbm4b:s1+s4], $0x80, v4, vm0, $0xb8;
	[tilespmem:$0x10800] =	vst v63  }
0xad: {  	s28 =	simm.s32 $0x5000;
	v3 =	vperm.xlane v3, v2  }
0xae: {  	[tilespmem:s28], [sflag:$0x2] =	stream.indirect_vreg.gather [hbm4b:s6+s4], $0x80, v4, vm0, $0xb8;
	[tilespmem:$0x10800] =	vst v63  }
0xaf: {  	v3 =	vadd.s32 v1, v3;
	s28 =	simm.s32 $0x5800  }
0xb0: {  	[tilespmem:s28], [sflag:$0x2] =	stream.indirect_vreg.gather [hbm4b:s7+s4], $0x80, v4, vm0, $0xb8;
	[tilespmem:$0x10800] =	vst v63  }
0xb1: {  	s28 =	simm.s32 $0x6000  }
0xb2: {  	[tilespmem:s28], [sflag:$0x2] =	stream.indirect_vreg.gather [hbm4b:s8+s4], $0x80, v4, vm0, $0xb8;
	[tilespmem:$0x10800] =	vst v63  }
0xb3: {  	s28 =	simm.s32 $0x6800  }
0xb4: {  	[tilespmem:s28], [sflag:$0x2] =	stream.indirect_vreg.gather [hbm4b:s1+s4], $0x80, v3, vm0, $0xb8;
	[tilespmem:$0x10800] =	vst v63  }
0xb5: {  	s28 =	simm.s32 $0x7000  }
0xb6: {  	[tilespmem:s28], [sflag:$0x2] =	stream.indirect_vreg.gather [hbm4b:s6+s4], $0x80, v3, vm0, $0xb8;
	[tilespmem:$0x10800] =	vst v63  }
0xb7: {  	s28 =	simm.s32 $0x7800  }
0xb8: {  	[tilespmem:s28], [sflag:$0x2] =	stream.indirect_vreg.gather [hbm4b:s7+s4], $0x80, v3, vm0, $0xb8;
	[tilespmem:$0x10800] =	vst v63  }
0xb9: {  	s28 =	simm.s32 $0x8000  }
0xba: {  	[tilespmem:s28], [sflag:$0x2] =	stream.indirect_vreg.gather [hbm4b:s8+s4], $0x80, v3, vm0, $0xb8;
	[tilespmem:$0x10800] =	vst v63  }
0xbb: {  	_ =	swait.ge [sflag:s19], $0x4000  }
0xbc: {  	[sflag:s19] =	ssyncset.done $0x0  }
0xbd: {  	s28 =	sadd.s32 $0x1800, s25;
	[sflag:s19] =	ssyncadd.s32 $0xFFFFC000  }
0xbe: {  	[hbm4b:s28+s4] =	stream.linear.scatter [tilespmem:s26], [sflag:$0x8], $0x4000, $0x38;
	[tilespmem:$0x10800] =	vst v63  }
0xbf: {  	_ =	swait.ge [sflag:s20], $0x4000  }
0xc0: {  	[sflag:s20] =	ssyncset.done $0x0  }
0xc1: {  	[sflag:s20] =	ssyncadd.s32 $0xFFFFC000  }
0xc2: {  	v3 =	vld [tilespmem:s22+$0xFFFFFFF0];
	_ =	sdelay $0x4  }
0xc3: {  	v62 =	vshll.u32 v3, $0x3  }
0xc4: {  	v3 =	vand.u32 $0x7, v3;
	v4 =	vand.u32 $0xFFFFFFC0, v62  }
0xc5: {  	v3 =	vor.u32 v3, v4  }
0xc6: {  	v4 =	vperm.xlane v3, v0;
	_ =	sdelay $0x1  }
0xc7: {  	v4 =	vadd.s32 v1, v4;
	_ =	sdelay $0x4  }
0xc8: {  	[tilespmem:s17], [sflag:$0x3] =	stream.indirect_vreg.gather [hbm4b:s1+s4], $0x80, v4, vm0, $0xb8;
	[tilespmem:$0x10800] =	vst v63  }
0xc9: {  	s28 =	simm.s32 $0x9000;
	v3 =	vperm.xlane v3, v2  }
0xca: {  	[tilespmem:s28], [sflag:$0x3] =	stream.indirect_vreg.gather [hbm4b:s6+s4], $0x80, v4, vm0, $0xb8;
	[tilespmem:$0x10800] =	vst v63  }
0xcb: {  	v3 =	vadd.s32 v1, v3;
	s28 =	simm.s32 $0x9800  }
0xcc: {  	[tilespmem:s28], [sflag:$0x3] =	stream.indirect_vreg.gather [hbm4b:s7+s4], $0x80, v4, vm0, $0xb8;
	[tilespmem:$0x10800] =	vst v63  }
0xcd: {  	s28 =	simm.s32 $0xA000  }
0xce: {  	[tilespmem:s28], [sflag:$0x3] =	stream.indirect_vreg.gather [hbm4b:s8+s4], $0x80, v4, vm0, $0xb8;
	[tilespmem:$0x10800] =	vst v63  }
0xcf: {  	s28 =	simm.s32 $0xA800  }
0xd0: {  	[tilespmem:s28], [sflag:$0x3] =	stream.indirect_vreg.gather [hbm4b:s1+s4], $0x80, v3, vm0, $0xb8;
	[tilespmem:$0x10800] =	vst v63  }
0xd1: {  	s28 =	simm.s32 $0xB000  }
0xd2: {  	[tilespmem:s28], [sflag:$0x3] =	stream.indirect_vreg.gather [hbm4b:s6+s4], $0x80, v3, vm0, $0xb8;
	[tilespmem:$0x10800] =	vst v63  }
0xd3: {  	s28 =	simm.s32 $0xB800  }
0xd4: {  	[tilespmem:s28], [sflag:$0x3] =	stream.indirect_vreg.gather [hbm4b:s7+s4], $0x80, v3, vm0, $0xb8;
	[tilespmem:$0x10800] =	vst v63  }
0xd5: {  	s28 =	simm.s32 $0xC000  }
0xd6: {  	[tilespmem:s28], [sflag:$0x3] =	stream.indirect_vreg.gather [hbm4b:s8+s4], $0x80, v3, vm0, $0xb8;
	[tilespmem:$0x10800] =	vst v63  }
0xd7: {  	_ =	swait.ge [sflag:s10], $0x4000  }
0xd8: {  	[sflag:s10] =	ssyncset.done $0x0  }
0xd9: {  	s28 =	sadd.s32 $0x2000, s25;
	[sflag:s10] =	ssyncadd.s32 $0xFFFFC000  }
0xda: {  	[hbm4b:s28+s4] =	stream.linear.scatter [tilespmem:s23], [sflag:$0x5], $0x4000, $0x38;
	[tilespmem:$0x10800] =	vst v63  }
0xdb: {  	_ =	swait.ge [sflag:s21], $0x4000  }
0xdc: {  	[sflag:s21] =	ssyncset.done $0x0  }
0xdd: {  	[sflag:s21] =	ssyncadd.s32 $0xFFFFC000  }
0xde: {  	v3 =	vld [tilespmem:s22+$0x0];
	_ =	sdelay $0x4  }
0xdf: {  	v63 =	vshll.u32 v3, $0x3  }
0xe0: {  	v3 =	vand.u32 $0x7, v3;
	v4 =	vand.u32 $0xFFFFFFC0, v63  }
0xe1: {  	v3 =	vor.u32 v3, v4  }
0xe2: {  	v4 =	vperm.xlane v3, v0;
	_ =	sdelay $0x1  }
0xe3: {  	v4 =	vadd.s32 v1, v4;
	_ =	sdelay $0x4  }
0xe4: {  	[tilespmem:s26], [sflag:$0x4] =	stream.indirect_vreg.gather [hbm4b:s1+s4], $0x80, v4, vm0, $0xb8;
	[tilespmem:$0x10800] =	vst v63  }
0xe5: {  	s31 =	simm.s32 $0xD000;
	v3 =	vperm.xlane v3, v2  }
0xe6: {  	[tilespmem:s31], [sflag:$0x4] =	stream.indirect_vreg.gather [hbm4b:s6+s4], $0x80, v4, vm0, $0xb8;
	[tilespmem:$0x10800] =	vst v63  }
0xe7: {  	v3 =	vadd.s32 v1, v3;
	s31 =	simm.s32 $0xD800  }
0xe8: {  	[tilespmem:s31], [sflag:$0x4] =	stream.indirect_vreg.gather [hbm4b:s7+s4], $0x80, v4, vm0, $0xb8;
	[tilespmem:$0x10800] =	vst v63  }
0xe9: {  	_ = 	snop  }
0xea: {  	[tilespmem:s3], [sflag:$0x4] =	stream.indirect_vreg.gather [hbm4b:s8+s4], $0x80, v4, vm0, $0xb8;
	[tilespmem:$0x10800] =	vst v63  }
0xeb: {  	_ = 	snop  }
0xec: {  	[tilespmem:s5], [sflag:$0x4] =	stream.indirect_vreg.gather [hbm4b:s1+s4], $0x80, v3, vm0, $0xb8;
	[tilespmem:$0x10800] =	vst v63  }
0xed: {  	_ = 	snop  }
0xee: {  	[tilespmem:s9], [sflag:$0x4] =	stream.indirect_vreg.gather [hbm4b:s6+s4], $0x80, v3, vm0, $0xb8;
	[tilespmem:$0x10800] =	vst v63  }
0xef: {  	_ = 	snop  }
0xf0: {  	[tilespmem:s29], [sflag:$0x4] =	stream.indirect_vreg.gather [hbm4b:s7+s4], $0x80, v3, vm0, $0xb8;
	[tilespmem:$0x10800] =	vst v63  }
0xf1: {  	p0 =	sne.s32 s24, $0x1C000  }
0xf2: {  	[tilespmem:s30], [sflag:$0x4] =	stream.indirect_vreg.gather [hbm4b:s8+s4], $0x80, v3, vm0, $0xb8;
	[tilespmem:$0x10800] =	vst v63  }
.Ltmp0:
0xf3: {  	_ =	swait.ge [sflag:s11], $0x4000;
	(pc) =	sbr.rel @p0 .LBB2_2-.Ltmp0, $4  }
0xf4: {  	[sflag:s11] =	ssyncset.done $0x0  }
0xf5: {  	s24 =	sadd.s32 $0x2000, s24;
	s25 =	sadd.s32 $0x2800, s25;
	[sflag:s11] =	ssyncadd.s32 $0xFFFFC000  }
0xf6: {  	[hbm4b:s25+s4] =	stream.linear.scatter [tilespmem:s0], [sflag:$0x6], $0x4000, $0x38;
	[tilespmem:$0x10800] =	vst v63  }
0xf7: {  	s28 =	simm.s32 $0x1800;
	s22 =	sadd.s32 $0x40, s22;
	s25 =	simm.s32 $0x1000  }
0xf8: {  	_ =	swait.ge [sflag:s15], $0x4000  }
0xf9: {  	[sflag:s15] =	ssyncset.done $0x0  }
0xfa: {  	[sflag:s15] =	ssyncadd.s32 $0xFFFFC000  }
0xfb: {  	v3 =	vld [tilespmem:$0x400];
	_ =	sdelay $0x4  }
0xfc: {  	v4 =	vshll.u32 v3, $0x3  }
0xfd: {  	v3 =	vand.u32 $0x7, v3;
	v4 =	vand.u32 $0xFFFFFFC0, v4  }
0xfe: {  	v3 =	vor.u32 v3, v4  }
0xff: {  	v4 =	vperm.xlane v3, v0;
	_ =	sdelay $0x1  }
0x100: {  	v4 =	vadd.s32 v1, v4;
	_ =	sdelay $0x3  }
0x101: {  	s22 =	simm.s32 $0x0  }
0x102: {  	[tilespmem:s23], [sflag:$0x1] =	stream.indirect_vreg.gather [hbm4b:s2+s22], $0x80, v4, vm0, $0xb8;
	[tilespmem:$0x10800] =	vst v63  }
0x103: {  	v3 =	vperm.xlane v3, v2  }
0x104: {  	[tilespmem:s25], [sflag:$0x1] =	stream.indirect_vreg.gather [hbm4b:s12+s22], $0x80, v4, vm0, $0xb8;
	[tilespmem:$0x10800] =	vst v63  }
0x105: {  	v3 =	vadd.s32 v1, v3  }
0x106: {  	[tilespmem:s28], [sflag:$0x1] =	stream.indirect_vreg.gather [hbm4b:s13+s22], $0x80, v4, vm0, $0xb8;
	[tilespmem:$0x10800] =	vst v63  }
0x107: {  	s24 =	simm.s32 $0x2000  }
0x108: {  	[tilespmem:s24], [sflag:$0x1] =	stream.indirect_vreg.gather [hbm4b:s14+s22], $0x80, v4, vm0, $0xb8;
	[tilespmem:$0x10800] =	vst v63  }
0x109: {  	s31 =	simm.s32 $0x2800  }
0x10a: {  	[tilespmem:s31], [sflag:$0x1] =	stream.indirect_vreg.gather [hbm4b:s2+s22], $0x80, v3, vm0, $0xb8;
	[tilespmem:$0x10800] =	vst v63  }
0x10b: {  	s31 =	simm.s32 $0x3000  }
0x10c: {  	[tilespmem:s31], [sflag:$0x1] =	stream.indirect_vreg.gather [hbm4b:s12+s22], $0x80, v3, vm0, $0xb8;
	[tilespmem:$0x10800] =	vst v63  }
0x10d: {  	s31 =	simm.s32 $0x3800  }
0x10e: {  	[tilespmem:s31], [sflag:$0x1] =	stream.indirect_vreg.gather [hbm4b:s13+s22], $0x80, v3, vm0, $0xb8;
	[tilespmem:$0x10800] =	vst v63  }
0x10f: {  	s31 =	simm.s32 $0x4000  }
0x110: {  	[tilespmem:s31], [sflag:$0x1] =	stream.indirect_vreg.gather [hbm4b:s14+s22], $0x80, v3, vm0, $0xb8;
	[tilespmem:$0x10800] =	vst v63  }
0x111: {  	_ =	swait.ge [sflag:s16], $0x4000  }
0x112: {  	[sflag:s16] =	ssyncset.done $0x0  }
0x113: {  	s31 =	rddreg [dreg:$0xd];
	[sflag:s16] =	ssyncadd.s32 $0xFFFFC000  }
0x114: {  	[hbm4b:s31+s22] =	stream.linear.scatter [tilespmem:s17], [sflag:$0x7], $0x4000, $0x38;
	[tilespmem:$0x10800] =	vst v63  }
0x115: {  	_ =	swait.ge [sflag:s18], $0x4000  }
0x116: {  	[sflag:s18] =	ssyncset.done $0x0  }
0x117: {  	[sflag:s18] =	ssyncadd.s32 $0xFFFFC000  }
0x118: {  	v3 =	vld [tilespmem:$0x410];
	_ =	sdelay $0x4  }
0x119: {  	v61 =	vshll.u32 v3, $0x3  }
0x11a: {  	v3 =	vand.u32 $0x7, v3;
	v4 =	vand.u32 $0xFFFFFFC0, v61  }
0x11b: {  	v3 =	vor.u32 v3, v4  }
0x11c: {  	v4 =	vperm.xlane v3, v0;
	_ =	sdelay $0x1  }
0x11d: {  	v4 =	vadd.s32 v1, v4;
	_ =	sdelay $0x4  }
0x11e: {  	[tilespmem:s0], [sflag:$0x2] =	stream.indirect_vreg.gather [hbm4b:s2+s22], $0x80, v4, vm0, $0xb8;
	[tilespmem:$0x10800] =	vst v63  }
0x11f: {  	s31 =	simm.s32 $0x5000;
	v3 =	vperm.xlane v3, v2  }
0x120: {  	[tilespmem:s31], [sflag:$0x2] =	stream.indirect_vreg.gather [hbm4b:s12+s22], $0x80, v4, vm0, $0xb8;
	[tilespmem:$0x10800] =	vst v63  }
0x121: {  	v3 =	vadd.s32 v1, v3;
	s31 =	simm.s32 $0x5800  }
0x122: {  	[tilespmem:s31], [sflag:$0x2] =	stream.indirect_vreg.gather [hbm4b:s13+s22], $0x80, v4, vm0, $0xb8;
	[tilespmem:$0x10800] =	vst v63  }
0x123: {  	s31 =	simm.s32 $0x6000  }
0x124: {  	[tilespmem:s31], [sflag:$0x2] =	stream.indirect_vreg.gather [hbm4b:s14+s22], $0x80, v4, vm0, $0xb8;
	[tilespmem:$0x10800] =	vst v63  }
0x125: {  	s31 =	simm.s32 $0x6800  }
0x126: {  	[tilespmem:s31], [sflag:$0x2] =	stream.indirect_vreg.gather [hbm4b:s2+s22], $0x80, v3, vm0, $0xb8;
	[tilespmem:$0x10800] =	vst v63  }
0x127: {  	s31 =	simm.s32 $0x7000  }
0x128: {  	[tilespmem:s31], [sflag:$0x2] =	stream.indirect_vreg.gather [hbm4b:s12+s22], $0x80, v3, vm0, $0xb8;
	[tilespmem:$0x10800] =	vst v63  }
0x129: {  	s31 =	simm.s32 $0x7800  }
0x12a: {  	[tilespmem:s31], [sflag:$0x2] =	stream.indirect_vreg.gather [hbm4b:s13+s22], $0x80, v3, vm0, $0xb8;
	[tilespmem:$0x10800] =	vst v63  }
0x12b: {  	s31 =	simm.s32 $0x8000  }
0x12c: {  	[tilespmem:s31], [sflag:$0x2] =	stream.indirect_vreg.gather [hbm4b:s14+s22], $0x80, v3, vm0, $0xb8;
	[tilespmem:$0x10800] =	vst v63  }
0x12d: {  	_ =	swait.ge [sflag:s19], $0x4000  }
0x12e: {  	[sflag:s19] =	ssyncset.done $0x0  }
0x12f: {  	s31 =	rddreg [dreg:$0xe];
	[sflag:s19] =	ssyncadd.s32 $0xFFFFC000  }
0x130: {  	[hbm4b:s31+s22] =	stream.linear.scatter [tilespmem:s26], [sflag:$0x8], $0x4000, $0x38;
	[tilespmem:$0x10800] =	vst v63  }
0x131: {  	_ =	swait.ge [sflag:s20], $0x4000  }
0x132: {  	[sflag:s20] =	ssyncset.done $0x0  }
0x133: {  	[sflag:s20] =	ssyncadd.s32 $0xFFFFC000  }
0x134: {  	v3 =	vld [tilespmem:$0x420];
	_ =	sdelay $0x4  }
0x135: {  	v62 =	vshll.u32 v3, $0x3  }
0x136: {  	v3 =	vand.u32 $0x7, v3;
	v4 =	vand.u32 $0xFFFFFFC0, v62  }
0x137: {  	v3 =	vor.u32 v3, v4  }
0x138: {  	v4 =	vperm.xlane v3, v0;
	_ =	sdelay $0x1  }
0x139: {  	v4 =	vadd.s32 v1, v4;
	_ =	sdelay $0x4  }
0x13a: {  	[tilespmem:s17], [sflag:$0x3] =	stream.indirect_vreg.gather [hbm4b:s2+s22], $0x80, v4, vm0, $0xb8;
	[tilespmem:$0x10800] =	vst v63  }
0x13b: {  	s31 =	simm.s32 $0x9000;
	v3 =	vperm.xlane v3, v2  }
0x13c: {  	[tilespmem:s31], [sflag:$0x3] =	stream.indirect_vreg.gather [hbm4b:s12+s22], $0x80, v4, vm0, $0xb8;
	[tilespmem:$0x10800] =	vst v63  }
0x13d: {  	v3 =	vadd.s32 v1, v3;
	s31 =	simm.s32 $0x9800  }
0x13e: {  	[tilespmem:s31], [sflag:$0x3] =	stream.indirect_vreg.gather [hbm4b:s13+s22], $0x80, v4, vm0, $0xb8;
	[tilespmem:$0x10800] =	vst v63  }
0x13f: {  	s31 =	simm.s32 $0xA000  }
0x140: {  	[tilespmem:s31], [sflag:$0x3] =	stream.indirect_vreg.gather [hbm4b:s14+s22], $0x80, v4, vm0, $0xb8;
	[tilespmem:$0x10800] =	vst v63  }
0x141: {  	s31 =	simm.s32 $0xA800  }
0x142: {  	[tilespmem:s31], [sflag:$0x3] =	stream.indirect_vreg.gather [hbm4b:s2+s22], $0x80, v3, vm0, $0xb8;
	[tilespmem:$0x10800] =	vst v63  }
0x143: {  	s31 =	simm.s32 $0xB000  }
0x144: {  	[tilespmem:s31], [sflag:$0x3] =	stream.indirect_vreg.gather [hbm4b:s12+s22], $0x80, v3, vm0, $0xb8;
	[tilespmem:$0x10800] =	vst v63  }
0x145: {  	s31 =	simm.s32 $0xB800  }
0x146: {  	[tilespmem:s31], [sflag:$0x3] =	stream.indirect_vreg.gather [hbm4b:s13+s22], $0x80, v3, vm0, $0xb8;
	[tilespmem:$0x10800] =	vst v63  }
0x147: {  	s31 =	simm.s32 $0xC000  }
0x148: {  	[tilespmem:s31], [sflag:$0x3] =	stream.indirect_vreg.gather [hbm4b:s14+s22], $0x80, v3, vm0, $0xb8;
	[tilespmem:$0x10800] =	vst v63  }
0x149: {  	_ =	swait.ge [sflag:s10], $0x4000  }
0x14a: {  	[sflag:s10] =	ssyncset.done $0x0  }
0x14b: {  	s31 =	rddreg [dreg:$0xf];
	[sflag:s10] =	ssyncadd.s32 $0xFFFFC000  }
0x14c: {  	[hbm4b:s31+s22] =	stream.linear.scatter [tilespmem:s23], [sflag:$0x5], $0x4000, $0x38;
	[tilespmem:$0x10800] =	vst v63  }
0x14d: {  	_ =	swait.ge [sflag:s21], $0x4000  }
0x14e: {  	[sflag:s21] =	ssyncset.done $0x0  }
0x14f: {  	[sflag:s21] =	ssyncadd.s32 $0xFFFFC000  }
0x150: {  	v3 =	vld [tilespmem:$0x430];
	_ =	sdelay $0x4  }
0x151: {  	v63 =	vshll.u32 v3, $0x3  }
0x152: {  	v3 =	vand.u32 $0x7, v3;
	v4 =	vand.u32 $0xFFFFFFC0, v63  }
0x153: {  	v3 =	vor.u32 v3, v4  }
0x154: {  	v4 =	vperm.xlane v3, v0;
	_ =	sdelay $0x1  }
0x155: {  	v4 =	vadd.s32 v1, v4;
	_ =	sdelay $0x4  }
0x156: {  	[tilespmem:s26], [sflag:$0x4] =	stream.indirect_vreg.gather [hbm4b:s2+s22], $0x80, v4, vm0, $0xb8;
	[tilespmem:$0x10800] =	vst v63  }
0x157: {  	s31 =	simm.s32 $0xD000;
	v3 =	vperm.xlane v3, v2  }
0x158: {  	[tilespmem:s31], [sflag:$0x4] =	stream.indirect_vreg.gather [hbm4b:s12+s22], $0x80, v4, vm0, $0xb8;
	[tilespmem:$0x10800] =	vst v63  }
0x159: {  	v3 =	vadd.s32 v1, v3;
	s31 =	simm.s32 $0xD800  }
0x15a: {  	[tilespmem:s31], [sflag:$0x4] =	stream.indirect_vreg.gather [hbm4b:s13+s22], $0x80, v4, vm0, $0xb8;
	[tilespmem:$0x10800] =	vst v63  }
0x15b: {  	_ = 	snop  }
0x15c: {  	[tilespmem:s3], [sflag:$0x4] =	stream.indirect_vreg.gather [hbm4b:s14+s22], $0x80, v4, vm0, $0xb8;
	[tilespmem:$0x10800] =	vst v63  }
0x15d: {  	_ = 	snop  }
0x15e: {  	[tilespmem:s5], [sflag:$0x4] =	stream.indirect_vreg.gather [hbm4b:s2+s22], $0x80, v3, vm0, $0xb8;
	[tilespmem:$0x10800] =	vst v63  }
0x15f: {  	_ = 	snop  }
0x160: {  	[tilespmem:s9], [sflag:$0x4] =	stream.indirect_vreg.gather [hbm4b:s12+s22], $0x80, v3, vm0, $0xb8;
	[tilespmem:$0x10800] =	vst v63  }
0x161: {  	_ = 	snop  }
0x162: {  	[tilespmem:s29], [sflag:$0x4] =	stream.indirect_vreg.gather [hbm4b:s13+s22], $0x80, v3, vm0, $0xb8;
	[tilespmem:$0x10800] =	vst v63  }
0x163: {  	_ = 	snop  }
0x164: {  	[tilespmem:s30], [sflag:$0x4] =	stream.indirect_vreg.gather [hbm4b:s14+s22], $0x80, v3, vm0, $0xb8;
	[tilespmem:$0x10800] =	vst v63  }
0x165: {  	_ =	swait.ge [sflag:s11], $0x4000  }
0x166: {  	[sflag:s11] =	ssyncset.done $0x0  }
0x167: {  	s24 =	simm.s32 $0x470;
	s31 =	rddreg [dreg:$0x10];
	[sflag:s11] =	ssyncadd.s32 $0xFFFFC000  }
0x168: {  	[hbm4b:s31+s22] =	stream.linear.scatter [tilespmem:s0], [sflag:$0x6], $0x4000, $0x38;
	[tilespmem:$0x10800] =	vst v63  }
.LBB2_4:
0x169: {  	_ =	swait.ge [sflag:s15], $0x4000  }
0x16a: {  	[sflag:s15] =	ssyncset.done $0x0  }
0x16b: {  	[sflag:s15] =	ssyncadd.s32 $0xFFFFC000  }
0x16c: {  	v3 =	vld [tilespmem:s24+$0xFFFFFFD0];
	_ =	sdelay $0x4  }
0x16d: {  	v4 =	vshll.u32 v3, $0x3  }
0x16e: {  	v3 =	vand.u32 $0x7, v3;
	v4 =	vand.u32 $0xFFFFFFC0, v4  }
0x16f: {  	v3 =	vor.u32 v3, v4  }
0x170: {  	v4 =	vperm.xlane v3, v0;
	_ =	sdelay $0x1  }
0x171: {  	v4 =	vadd.s32 v1, v4;
	_ =	sdelay $0x4  }
0x172: {  	[tilespmem:s23], [sflag:$0x1] =	stream.indirect_vreg.gather [hbm4b:s2+s4], $0x80, v4, vm0, $0xb8;
	[tilespmem:$0x10800] =	vst v63  }
0x173: {  	v3 =	vperm.xlane v3, v2  }
0x174: {  	[tilespmem:s25], [sflag:$0x1] =	stream.indirect_vreg.gather [hbm4b:s12+s4], $0x80, v4, vm0, $0xb8;
	[tilespmem:$0x10800] =	vst v63  }
0x175: {  	v3 =	vadd.s32 v1, v3  }
0x176: {  	[tilespmem:s28], [sflag:$0x1] =	stream.indirect_vreg.gather [hbm4b:s13+s4], $0x80, v4, vm0, $0xb8;
	[tilespmem:$0x10800] =	vst v63  }
0x177: {  	s31 =	simm.s32 $0x2000  }
0x178: {  	[tilespmem:s31], [sflag:$0x1] =	stream.indirect_vreg.gather [hbm4b:s14+s4], $0x80, v4, vm0, $0xb8;
	[tilespmem:$0x10800] =	vst v63  }
0x179: {  	s31 =	simm.s32 $0x2800  }
0x17a: {  	[tilespmem:s31], [sflag:$0x1] =	stream.indirect_vreg.gather [hbm4b:s2+s4], $0x80, v3, vm0, $0xb8;
	[tilespmem:$0x10800] =	vst v63  }
0x17b: {  	s31 =	simm.s32 $0x3000  }
0x17c: {  	[tilespmem:s31], [sflag:$0x1] =	stream.indirect_vreg.gather [hbm4b:s12+s4], $0x80, v3, vm0, $0xb8;
	[tilespmem:$0x10800] =	vst v63  }
0x17d: {  	s31 =	simm.s32 $0x3800  }
0x17e: {  	[tilespmem:s31], [sflag:$0x1] =	stream.indirect_vreg.gather [hbm4b:s13+s4], $0x80, v3, vm0, $0xb8;
	[tilespmem:$0x10800] =	vst v63  }
0x17f: {  	s31 =	simm.s32 $0x4000  }
0x180: {  	[tilespmem:s31], [sflag:$0x1] =	stream.indirect_vreg.gather [hbm4b:s14+s4], $0x80, v3, vm0, $0xb8;
	[tilespmem:$0x10800] =	vst v63  }
0x181: {  	_ =	swait.ge [sflag:s16], $0x4000  }
0x182: {  	s31 =	rddreg [dreg:$0x8]  }
0x183: {  	[sflag:s16] =	ssyncset.done $0x0;
	s25 =	sadd.s32 s22, s31  }
0x184: {  	[sflag:s16] =	ssyncadd.s32 $0xFFFFC000;
	s28 =	sadd.s32 $0x1000, s25  }
0x185: {  	[hbm4b:s28+s4] =	stream.linear.scatter [tilespmem:s17], [sflag:$0x7], $0x4000, $0x38;
	[tilespmem:$0x10800] =	vst v63  }
0x186: {  	_ =	swait.ge [sflag:s18], $0x4000  }
0x187: {  	[sflag:s18] =	ssyncset.done $0x0  }
0x188: {  	[sflag:s18] =	ssyncadd.s32 $0xFFFFC000  }
0x189: {  	v3 =	vld [tilespmem:s24+$0xFFFFFFE0];
	_ =	sdelay $0x4  }
0x18a: {  	v61 =	vshll.u32 v3, $0x3  }
0x18b: {  	v3 =	vand.u32 $0x7, v3;
	v4 =	vand.u32 $0xFFFFFFC0, v61  }
0x18c: {  	v3 =	vor.u32 v3, v4  }
0x18d: {  	v4 =	vperm.xlane v3, v0;
	_ =	sdelay $0x1  }
0x18e: {  	v4 =	vadd.s32 v1, v4;
	_ =	sdelay $0x4  }
0x18f: {  	[tilespmem:s0], [sflag:$0x2] =	stream.indirect_vreg.gather [hbm4b:s2+s4], $0x80, v4, vm0, $0xb8;
	[tilespmem:$0x10800] =	vst v63  }
0x190: {  	s28 =	simm.s32 $0x5000;
	v3 =	vperm.xlane v3, v2  }
0x191: {  	[tilespmem:s28], [sflag:$0x2] =	stream.indirect_vreg.gather [hbm4b:s12+s4], $0x80, v4, vm0, $0xb8;
	[tilespmem:$0x10800] =	vst v63  }
0x192: {  	v3 =	vadd.s32 v1, v3;
	s28 =	simm.s32 $0x5800  }
0x193: {  	[tilespmem:s28], [sflag:$0x2] =	stream.indirect_vreg.gather [hbm4b:s13+s4], $0x80, v4, vm0, $0xb8;
	[tilespmem:$0x10800] =	vst v63  }
0x194: {  	s28 =	simm.s32 $0x6000  }
0x195: {  	[tilespmem:s28], [sflag:$0x2] =	stream.indirect_vreg.gather [hbm4b:s14+s4], $0x80, v4, vm0, $0xb8;
	[tilespmem:$0x10800] =	vst v63  }
0x196: {  	s28 =	simm.s32 $0x6800  }
0x197: {  	[tilespmem:s28], [sflag:$0x2] =	stream.indirect_vreg.gather [hbm4b:s2+s4], $0x80, v3, vm0, $0xb8;
	[tilespmem:$0x10800] =	vst v63  }
0x198: {  	s28 =	simm.s32 $0x7000  }
0x199: {  	[tilespmem:s28], [sflag:$0x2] =	stream.indirect_vreg.gather [hbm4b:s12+s4], $0x80, v3, vm0, $0xb8;
	[tilespmem:$0x10800] =	vst v63  }
0x19a: {  	s28 =	simm.s32 $0x7800  }
0x19b: {  	[tilespmem:s28], [sflag:$0x2] =	stream.indirect_vreg.gather [hbm4b:s13+s4], $0x80, v3, vm0, $0xb8;
	[tilespmem:$0x10800] =	vst v63  }
0x19c: {  	s28 =	simm.s32 $0x8000  }
0x19d: {  	[tilespmem:s28], [sflag:$0x2] =	stream.indirect_vreg.gather [hbm4b:s14+s4], $0x80, v3, vm0, $0xb8;
	[tilespmem:$0x10800] =	vst v63  }
0x19e: {  	_ =	swait.ge [sflag:s19], $0x4000  }
0x19f: {  	[sflag:s19] =	ssyncset.done $0x0  }
0x1a0: {  	s28 =	sadd.s32 $0x1800, s25;
	[sflag:s19] =	ssyncadd.s32 $0xFFFFC000  }
0x1a1: {  	[hbm4b:s28+s4] =	stream.linear.scatter [tilespmem:s26], [sflag:$0x8], $0x4000, $0x38;
	[tilespmem:$0x10800] =	vst v63  }
0x1a2: {  	_ =	swait.ge [sflag:s20], $0x4000  }
0x1a3: {  	[sflag:s20] =	ssyncset.done $0x0  }
0x1a4: {  	[sflag:s20] =	ssyncadd.s32 $0xFFFFC000  }
0x1a5: {  	v3 =	vld [tilespmem:s24+$0xFFFFFFF0];
	_ =	sdelay $0x4  }
0x1a6: {  	v62 =	vshll.u32 v3, $0x3  }
0x1a7: {  	v3 =	vand.u32 $0x7, v3;
	v4 =	vand.u32 $0xFFFFFFC0, v62  }
0x1a8: {  	v3 =	vor.u32 v3, v4  }
0x1a9: {  	v4 =	vperm.xlane v3, v0;
	_ =	sdelay $0x1  }
0x1aa: {  	v4 =	vadd.s32 v1, v4;
	_ =	sdelay $0x4  }
0x1ab: {  	[tilespmem:s17], [sflag:$0x3] =	stream.indirect_vreg.gather [hbm4b:s2+s4], $0x80, v4, vm0, $0xb8;
	[tilespmem:$0x10800] =	vst v63  }
0x1ac: {  	s28 =	simm.s32 $0x9000;
	v3 =	vperm.xlane v3, v2  }
0x1ad: {  	[tilespmem:s28], [sflag:$0x3] =	stream.indirect_vreg.gather [hbm4b:s12+s4], $0x80, v4, vm0, $0xb8;
	[tilespmem:$0x10800] =	vst v63  }
0x1ae: {  	v3 =	vadd.s32 v1, v3;
	s28 =	simm.s32 $0x9800  }
0x1af: {  	[tilespmem:s28], [sflag:$0x3] =	stream.indirect_vreg.gather [hbm4b:s13+s4], $0x80, v4, vm0, $0xb8;
	[tilespmem:$0x10800] =	vst v63  }
0x1b0: {  	s28 =	simm.s32 $0xA000  }
0x1b1: {  	[tilespmem:s28], [sflag:$0x3] =	stream.indirect_vreg.gather [hbm4b:s14+s4], $0x80, v4, vm0, $0xb8;
	[tilespmem:$0x10800] =	vst v63  }
0x1b2: {  	s28 =	simm.s32 $0xA800  }
0x1b3: {  	[tilespmem:s28], [sflag:$0x3] =	stream.indirect_vreg.gather [hbm4b:s2+s4], $0x80, v3, vm0, $0xb8;
	[tilespmem:$0x10800] =	vst v63  }
0x1b4: {  	s28 =	simm.s32 $0xB000  }
0x1b5: {  	[tilespmem:s28], [sflag:$0x3] =	stream.indirect_vreg.gather [hbm4b:s12+s4], $0x80, v3, vm0, $0xb8;
	[tilespmem:$0x10800] =	vst v63  }
0x1b6: {  	s28 =	simm.s32 $0xB800  }
0x1b7: {  	[tilespmem:s28], [sflag:$0x3] =	stream.indirect_vreg.gather [hbm4b:s13+s4], $0x80, v3, vm0, $0xb8;
	[tilespmem:$0x10800] =	vst v63  }
0x1b8: {  	s28 =	simm.s32 $0xC000  }
0x1b9: {  	[tilespmem:s28], [sflag:$0x3] =	stream.indirect_vreg.gather [hbm4b:s14+s4], $0x80, v3, vm0, $0xb8;
	[tilespmem:$0x10800] =	vst v63  }
0x1ba: {  	_ =	swait.ge [sflag:s10], $0x4000  }
0x1bb: {  	[sflag:s10] =	ssyncset.done $0x0  }
0x1bc: {  	s28 =	sadd.s32 $0x2000, s25;
	[sflag:s10] =	ssyncadd.s32 $0xFFFFC000  }
0x1bd: {  	[hbm4b:s28+s4] =	stream.linear.scatter [tilespmem:s23], [sflag:$0x5], $0x4000, $0x38;
	[tilespmem:$0x10800] =	vst v63  }
0x1be: {  	_ =	swait.ge [sflag:s21], $0x4000  }
0x1bf: {  	[sflag:s21] =	ssyncset.done $0x0  }
0x1c0: {  	[sflag:s21] =	ssyncadd.s32 $0xFFFFC000  }
0x1c1: {  	v3 =	vld [tilespmem:s24+$0x0];
	_ =	sdelay $0x4  }
0x1c2: {  	v63 =	vshll.u32 v3, $0x3  }
0x1c3: {  	v3 =	vand.u32 $0x7, v3;
	v4 =	vand.u32 $0xFFFFFFC0, v63  }
0x1c4: {  	v3 =	vor.u32 v3, v4  }
0x1c5: {  	v4 =	vperm.xlane v3, v0;
	_ =	sdelay $0x1  }
0x1c6: {  	v4 =	vadd.s32 v1, v4;
	_ =	sdelay $0x4  }
0x1c7: {  	[tilespmem:s26], [sflag:$0x4] =	stream.indirect_vreg.gather [hbm4b:s2+s4], $0x80, v4, vm0, $0xb8;
	[tilespmem:$0x10800] =	vst v63  }
0x1c8: {  	s31 =	simm.s32 $0xD000;
	v3 =	vperm.xlane v3, v2  }
0x1c9: {  	[tilespmem:s31], [sflag:$0x4] =	stream.indirect_vreg.gather [hbm4b:s12+s4], $0x80, v4, vm0, $0xb8;
	[tilespmem:$0x10800] =	vst v63  }
0x1ca: {  	v3 =	vadd.s32 v1, v3;
	s31 =	simm.s32 $0xD800  }
0x1cb: {  	[tilespmem:s31], [sflag:$0x4] =	stream.indirect_vreg.gather [hbm4b:s13+s4], $0x80, v4, vm0, $0xb8;
	[tilespmem:$0x10800] =	vst v63  }
0x1cc: {  	_ = 	snop  }
0x1cd: {  	[tilespmem:s3], [sflag:$0x4] =	stream.indirect_vreg.gather [hbm4b:s14+s4], $0x80, v4, vm0, $0xb8;
	[tilespmem:$0x10800] =	vst v63  }
0x1ce: {  	_ = 	snop  }
0x1cf: {  	[tilespmem:s5], [sflag:$0x4] =	stream.indirect_vreg.gather [hbm4b:s2+s4], $0x80, v3, vm0, $0xb8;
	[tilespmem:$0x10800] =	vst v63  }
0x1d0: {  	_ = 	snop  }
0x1d1: {  	[tilespmem:s9], [sflag:$0x4] =	stream.indirect_vreg.gather [hbm4b:s12+s4], $0x80, v3, vm0, $0xb8;
	[tilespmem:$0x10800] =	vst v63  }
0x1d2: {  	_ = 	snop  }
0x1d3: {  	[tilespmem:s29], [sflag:$0x4] =	stream.indirect_vreg.gather [hbm4b:s13+s4], $0x80, v3, vm0, $0xb8;
	[tilespmem:$0x10800] =	vst v63  }
0x1d4: {  	p0 =	sne.s32 s22, $0x1C000  }
0x1d5: {  	[tilespmem:s30], [sflag:$0x4] =	stream.indirect_vreg.gather [hbm4b:s14+s4], $0x80, v3, vm0, $0xb8;
	[tilespmem:$0x10800] =	vst v63  }
.Ltmp1:
0x1d6: {  	_ =	swait.ge [sflag:s11], $0x4000;
	(pc) =	sbr.rel @p0 .LBB2_4-.Ltmp1, $4  }
0x1d7: {  	[sflag:s11] =	ssyncset.done $0x0  }
0x1d8: {  	s22 =	sadd.s32 $0x2000, s22;
	s25 =	sadd.s32 $0x2800, s25;
	[sflag:s11] =	ssyncadd.s32 $0xFFFFC000  }
0x1d9: {  	[hbm4b:s25+s4] =	stream.linear.scatter [tilespmem:s0], [sflag:$0x6], $0x4000, $0x38;
	[tilespmem:$0x10800] =	vst v63  }
0x1da: {  	s28 =	simm.s32 $0x1800;
	s24 =	sadd.s32 $0x40, s24;
	s25 =	simm.s32 $0x1000  }
0x1db: {  	_ =	swait.ge [sflag:s16], $0x4000  }
0x1dc: {  	[sflag:s16] =	ssyncset.done $0x0  }
0x1dd: {  	s22 =	rddreg [dreg:$0x11];
	[sflag:s16] =	ssyncadd.s32 $0xFFFFC000  }
0x1de: {  	[hbm4b:s22+s4] =	stream.linear.scatter [tilespmem:s17], [sflag:$0x7], $0x4000, $0x38;
	[tilespmem:$0x10800] =	vst v63  }
0x1df: {  	_ =	swait.ge [sflag:s19], $0x4000  }
0x1e0: {  	[sflag:s19] =	ssyncset.done $0x0  }
0x1e1: {  	s24 =	rddreg [dreg:$0x12];
	[sflag:s19] =	ssyncadd.s32 $0xFFFFC000  }
0x1e2: {  	[hbm4b:s24+s4] =	stream.linear.scatter [tilespmem:s26], [sflag:$0x8], $0x4000, $0x38;
	[tilespmem:$0x10800] =	vst v63  }
0x1e3: {  	_ =	swait.ge [sflag:s15], $0x4000  }
0x1e4: {  	[sflag:s15] =	ssyncset.done $0x0  }
0x1e5: {  	[sflag:s15] =	ssyncadd.s32 $0xFFFFC000  }
0x1e6: {  	_ =	swait.ge [sflag:s18], $0x4000  }
0x1e7: {  	[sflag:s18] =	ssyncset.done $0x0  }
0x1e8: {  	[sflag:s18] =	ssyncadd.s32 $0xFFFFC000  }
0x1e9: {  	_ =	swait.ge [sflag:s20], $0x4000  }
0x1ea: {  	[sflag:s20] =	ssyncset.done $0x0  }
0x1eb: {  	[sflag:s20] =	ssyncadd.s32 $0xFFFFC000  }
0x1ec: {  	_ =	swait.ge [sflag:s21], $0x4000  }
0x1ed: {  	s3 =	rddreg [dreg:$0x14]  }
0x1ee: {  	s31 =	rddreg [dreg:$0x13];
	s3 =	sadd.s32 $0x1, s3  }
0x1ef: {  	p0 =	sne.s32 s3, s31  }
.Ltmp2:
0x1f0: {  	_ = 	snop;
	(pc) =	sbr.rel @p0 .LBB2_1-.Ltmp2, $3  }
0x1f1: {  	_ =	sdelay $0x1  }
0x1f2: {  	[sflag:s21] =	ssyncset.done $0x0  }
0x1f3: {  	[sflag:s21] =	ssyncadd.s32 $0xFFFFC000  }
0x1f4: {  	_ =	sfence.sel $0x180000  }
0x1f5: {  	[bflag:$0x0] =	sbarrier.arrive $0xFFFF  }
0x1f6: {  	_ =	strace $0x90000047  }
0x1f7: {  	s0 =	stileid.u32;
	[bflag:$0x2] =	sbarrier.arrive $0xFFFF  }
0x1f8: {  	p0 =	sne.s32 s0, $0x0;
	s0 =	rddreg [dreg:$0x6]  }
0x1f9: {  	s0 =	sadd.s32 @!p0 $0x100000, s0  }
0x1fa: {  	[sflag:s0] =	ssyncadd.tile.s32 @!p0 $0x1;
	_ =	shalt  }
.Lfunc_end2:
_tile_overlayer_lowered:
.L_overlay_start_2:
0x1fb: {  	(tag) =	ssettag $0x2  }
0x1fc: {  	s0 =	rddreg [dreg:$0x0];
	s2 =	stileid.u32  }
0x1fd: {  	s1 =	rddreg [dreg:$0x1];
	p0 =	sne.s32 s2, $0x0  }
0x1fe: {  	s3 =	rddreg [dreg:$0x2];
	[bflag:$0x3] =	sbarrier.arrive $0xFFFF;
	s2 =	simm.s32 @!p0 $0x1C09  }
0x1ff: {  	[timem:s3], [sflag:s2] =	dma.local @!p0 [hbm:s0], s1  }
0x200: {  	s0 =	simm.s32 @!p0 $0x9  }
0x201: {  	_ =	swait.ge @!p0 [sflag:s0], s1  }
0x202: {  	s1 =	ssub.s32 @!p0 $0x0, s1;
	[sflag:s0] =	ssyncset.done @!p0 $0x0  }
0x203: {  	[sflag:s0] =	ssyncadd.s32 @!p0 s1  }
0x204: {  	[bflag:$0x3] =	sbarrier.arrive $0xFFFF  }
0x205: {  	_ =	shalt  }

</sc_bundles>
